<compile_context>
chip_gen: v7x
topology: tpu7x:2x2x1
jax: 0.10.2.dev20260603
libtpu: 0.0.44.dev20260713+nightly
codegen_flags: <defaults>
</compile_context>

<pallas_src>
import functools
import numpy as np
import jax
import jax.numpy as jnp
from jax import lax
from jax.experimental import pallas as pl
from jax.experimental.pallas import tpu as pltpu
from jax.experimental.pallas import tpu_sc as plsc

_NUM_ATOMS = np.array([5, 11, 8, 8, 6, 9, 9, 4, 10, 8, 8, 9, 8, 11, 7, 6, 7, 14, 12, 7],
                      dtype=np.float32)
_SC_ELEMS = ["C", "CCCNCNN", "CCON", "CCOO", "CS", "CCCON", "CCCOO", "", "CCNCCN",
             "CCCC", "CCCC", "CCCCN", "CCSC", "CCCCCCC", "CCC", "CO", "COC",
             "CCCCNCCCCC", "CCCCCCCO", "CCC"]
_VDW = {"C": 1.7, "N": 1.55, "O": 1.52, "S": 1.8}


def _build_vdw_table():
    R = np.zeros((20, 14), dtype=np.float32)
    for i, sc in enumerate(_SC_ELEMS):
        for j, e in enumerate("NCCO" + sc):
            R[i, j] = _VDW[e]
    return R


_VDW_R = _build_vdw_table()

_LG = 16
_KP = 32
_RB = 128
_IW = 128
_CH_E = 128
_EPS4 = 0.001 / 4.0
_NEG = -30.0
_NPOIS = 64


def _sc_gather4(tables, gidx, n_edges):
    info = plsc.get_sparse_core_info()
    nc, ns = info.num_cores, info.num_subcores
    nw = nc * ns
    idx_rows = gidx.shape[1]
    e_per_w = idx_rows * _IW
    chunks = e_per_w // _CH_E
    q_per_ch = _CH_E // _IW
    mesh = plsc.VectorSubcoreMesh(core_axis_name="c", subcore_axis_name="s")
    out_t = jax.ShapeDtypeStruct((n_edges, _LG), jnp.float32)
    buf_t = pltpu.VMEM((_CH_E, _LG), jnp.float32)

    @functools.partial(
        pl.kernel,
        mesh=mesh,
        compiler_params=pltpu.CompilerParams(use_tc_tiling_on_sc=False),
        out_type=(out_t,) * 4,
        scratch_types=[
            pltpu.VMEM((idx_rows, _IW), jnp.int32),
            buf_t, buf_t, buf_t, buf_t,
            pltpu.SemaphoreType.DMA,
            pltpu.SemaphoreType.DMA,
            pltpu.SemaphoreType.DMA,
            pltpu.SemaphoreType.DMA,
        ],
    )
    def gather_kernel(t0, t1, t2, t3, gidx_hbm, o0, o1, o2, o3,
                      idx_v, r0, r1, r2, r3, s0, s1, s2, s3):
        wid = lax.axis_index("s") * nc + lax.axis_index("c")
        e_base = wid * e_per_w
        pltpu.sync_copy(gidx_hbm.at[wid], idx_v)
        tabs = ((t0, r0, s0), (t1, r1, s1), (t2, r2, s2), (t3, r3, s3))
        outs = (o0, o1, o2, o3)

        def body(c, carry):
            cps = []
            for (t, r, s) in tabs:
                for q in range(q_per_ch):
                    cps.append(pltpu.async_copy(
                        t.at[idx_v.at[c * q_per_ch + q]],
                        r.at[pl.ds(q * _IW, _IW)], s))
            for cp in cps:
                cp.wait()
            dst = pl.ds(e_base + c * _CH_E, _CH_E)
            for (t, r, s), o in zip(tabs, outs):
                pltpu.sync_copy(r, o.at[dst])
            return carry

        lax.fori_loop(0, chunks, body, 0)

    return gather_kernel(tables[0], tables[1], tables[2], tables[3], gidx)


def _tc_body(gx0_ref, gx1_ref, gx2_ref, gr_ref, ssq_ref, main_ref):
    g0, g1, g2, gr = gx0_ref[...], gx1_ref[...], gx2_ref[...], gr_ref[...]
    s = ssq_ref[...]

    acc = jnp.zeros_like(g0)
    for a in range(4, 14):
        qx0 = s[:, a:a + 1]
        qx1 = s[:, _LG + a:_LG + a + 1]
        qx2 = s[:, 2 * _LG + a:2 * _LG + a + 1]
        qr = s[:, 3 * _LG + a:3 * _LG + a + 1]
        d2 = (qx0 - g0) ** 2 + ((qx1 - g1) ** 2 + ((qx2 - g2) ** 2 + _EPS4))
        acc = acc + jnp.tanh((qr + gr) - jnp.sqrt(d2))

    main_ref[...] = jnp.sum(acc, axis=1, keepdims=True)


def _tc_compute(gx, ssq, n_rows, interpret=False):
    rows_b = _RB * (_KP * _LG // 128)
    grid = (n_rows // rows_b,)
    gspec = pl.BlockSpec((rows_b, 128), lambda i: (i, 0))
    sspec = pl.BlockSpec((rows_b, 4 * _LG), lambda i: (i, 0))
    ospec = pl.BlockSpec((rows_b, 1), lambda i: (i, 0))
    o_t = jax.ShapeDtypeStruct((n_rows, 1), jnp.float32)
    return pl.pallas_call(
        _tc_body,
        grid=grid,
        in_specs=[gspec] * 4 + [sspec],
        out_specs=ospec,
        out_shape=o_t,
        interpret=interpret,
    )(*gx, ssq)


def _build_tables(X, C, S):
    B, N, A, _ = X.shape
    onehot = (S[:, :, None] == jnp.arange(20, dtype=S.dtype)).astype(jnp.float32)
    rmat = jnp.asarray(_VDW_R * 0.25 + 0.0875)
    rrow = jnp.dot(onehot, rmat, precision=jax.lax.Precision.HIGHEST)
    apr = (C > 0).astype(jnp.float32) * jnp.dot(onehot, jnp.asarray(_NUM_ATOMS),
                                                precision=jax.lax.Precision.HIGHEST)
    mask = jnp.arange(A, dtype=jnp.float32).reshape(1, 1, A) < apr[:, :, None]
    r4 = jnp.where(mask, rrow, _NEG)
    pad0 = jnp.zeros((B, N, _LG - A), jnp.float32)
    padn = jnp.full((B, N, _LG - A), _NEG, jnp.float32)
    xh = X * 0.5
    zrow = jnp.zeros((_NPOIS, _LG), jnp.float32)
    nrow = jnp.full((_NPOIS, _LG), _NEG, jnp.float32)
    tx0 = jnp.concatenate(
        [jnp.concatenate([xh[:, :, :, 0], pad0], -1).reshape(B * N, _LG), zrow], 0)
    tx1 = jnp.concatenate(
        [jnp.concatenate([xh[:, :, :, 1], pad0], -1).reshape(B * N, _LG), zrow], 0)
    tx2 = jnp.concatenate(
        [jnp.concatenate([xh[:, :, :, 2], pad0], -1).reshape(B * N, _LG), zrow], 0)
    tr = jnp.concatenate(
        [jnp.concatenate([r4, padn], -1).reshape(B * N, _LG), nrow], 0)
    return (tx0, tx1, tx2, tr)


def kernel(X, C, S, edge_idx):
    B, N, A, _ = X.shape
    Kn = edge_idx.shape[2]
    n_edges = B * N * _KP
    rep = _KP * _LG // 128

    tables = _build_tables(X, C, S)

    eidx = edge_idx.astype(jnp.int32)
    gidx = eidx + (jnp.arange(B, dtype=jnp.int32) * N)[:, None, None]
    pvals = (B * N + (jnp.arange(B * N * (_KP - Kn), dtype=jnp.int32) % _NPOIS)
             ).reshape(B, N, _KP - Kn)
    gidx = jnp.concatenate([gidx, pvals], axis=-1)
    nw = 32
    n_chains = 4
    cn = B * N // n_chains
    ne_c = cn * _KP
    gflat = gidx.reshape(B * N, _KP)
    scat = jnp.concatenate([t[:B * N] for t in tables], axis=-1)

    ms_parts = []
    for c in range(n_chains):
        gidx3 = gflat[c * cn:(c + 1) * cn].reshape(nw, ne_c // (nw * _IW), _IW)
        g = _sc_gather4(tables, gidx3, ne_c)
        gxc = tuple(t.reshape(ne_c * _LG // 128, 128) for t in g)
        ssqc = jnp.repeat(scat[c * cn:(c + 1) * cn], rep, axis=0)
        main = _tc_compute(gxc, ssqc, cn * rep)
        ms_parts.append(main.reshape(cn, rep).sum(-1))
    ms = jnp.concatenate(ms_parts).reshape(B, N)

    sx = tuple(t[:B * N].reshape(B, N, _LG) for t in tables)
    ds2 = sum((s[:, :, 4:A, None] - s[:, :, None, :]) ** 2 for s in sx[:3]) + _EPS4
    args = (sx[3][:, :, 4:A, None] + sx[3][:, :, None, :]) - jnp.sqrt(ds2)
    ss = jnp.sum(jnp.tanh(args), axis=(-1, -2))

    scnt = jnp.sum((eidx == jnp.arange(N, dtype=jnp.int32).reshape(1, N, 1))
                   .astype(jnp.float32), axis=-1)
    npair = 10.0 * _KP * _LG
    return 0.5 * (ms + npair) - scnt * (0.5 * (ss + 10.0 * _LG))

# --- scband reference (transcript-rebuilt; emitter-appended) ---
"""Pipeline reference for scband-loss-sidechain-clashes-40819369181410 (READ-ONLY COPY).

The authoritative reference and input builder live on the scoring server;
editing this copy changes nothing except your own understanding.
"""

import jax, jax.numpy as jnp
import numpy as np

# Chroma-style constants (AA20_3 alphabetical order): heavy-atom counts incl. 4 backbone atoms
AA20_NUM_ATOMS = np.array([5,11,8,8,6,9,9,4,10,8,8,9,8,11,7,6,7,14,12,7], dtype=np.int32)
# sidechain atom elements per residue (backbone is always N,CA,C,O -> elements N,C,C,O)
_SC = ["C","CCCNCNN","CCON","CCOO","CS","CCCON","CCCOO","","CCNCCN","CCCC","CCCC","CCCCN","CCSC","CCCCCCC","CCC","CO","COC","CCCCNCCCCC","CCCCCCCO","CCC"]
_VDW = {"C": 1.7, "N": 1.55, "O": 1.52, "S": 1.8}

def _build_R():
    R = np.zeros((20, 14), dtype=np.float32)
    for i, sc in enumerate(_SC):
        for j, e in enumerate("NCCO" + sc):
            R[i, j] = _VDW[e]
    return R

VDW_R = _build_R()

def collect_neighbors(x, edge_idx):
    # x: [B, N, D], edge_idx: [B, N, K] -> [B, N, K, D]
    B, N, K = edge_idx.shape
    flat = edge_idx.reshape(B, N * K)
    out = jnp.take_along_axis(x, flat[:, :, None], axis=1)
    return out.reshape(B, N, K, x.shape[-1])

def _forward(X, C, S, edge_idx, distance_eps=0.001, connect_cutoff=0.35, alpha=1.0):
    B, N, A, _ = X.shape
    K = edge_idx.shape[2]
    # atom mask
    apr = jnp.take(jnp.asarray(AA20_NUM_ATOMS), S).astype(jnp.float32)
    apr = (C > 0).astype(jnp.float32) * apr
    mask_atoms = (jnp.arange(A).reshape(1, 1, A) < apr[:, :, None]).astype(jnp.float32)
    # pairwise atom mask [B,N,K,A,A]
    mask_nj = collect_neighbors(mask_atoms, edge_idx)
    mask_ni = jnp.broadcast_to(mask_atoms[:, :, None, :], (B, N, K, A))
    mask_D = mask_ni[..., :, None] * mask_nj[..., None, :]
    mask_ne = (edge_idx != jnp.arange(N).reshape(1, N, 1)).astype(jnp.float32)
    mask_D = mask_D * mask_ne[..., None, None]
    # pairwise distances [B,N,K,A,A]
    X_j = collect_neighbors(X.reshape(B, N, A * 3), edge_idx).reshape(B, N, K, A, 3)
    X_i = jnp.broadcast_to(X[:, :, None, :, :], (B, N, K, A, 3))
    D = jnp.sqrt(((X_i[:, :, :, :, None, :] - X_j[:, :, :, None, :, :]) ** 2).sum(-1) + distance_eps)
    # vdw diameters
    radii = jnp.take(jnp.asarray(VDW_R), S, axis=0)  # [B,N,14]
    radii_j = collect_neighbors(radii, edge_idx).reshape(B, N, K, 1, A)
    radii_i = radii.reshape(B, N, 1, A, 1)
    D_cut = (radii_i + radii_j) / 2.0 + connect_cutoff
    bond_clash = mask_D * jax.nn.sigmoid(alpha * (D_cut - D))
    bond_clash = bond_clash[:, :, :, 4:, :]
    return bond_clash.sum(axis=(2, 3, 4))

def setup_inputs(seed: int = 0):
    key = jax.random.key(seed)
    kX, kC, kS, kE = jax.random.split(key, 4)
    B, N, A, K = 2, 2048, 14, 30
    return {
        "X": jax.random.normal(kX, (B, N, A, 3), dtype=jnp.float32),
        "C": jax.random.randint(kC, (B, N), 0, 4),
        "S": jax.random.randint(kS, (B, N), 0, 20),
        "edge_idx": jax.random.randint(kE, (B, N, K), 0, N),
    }

def reference(X, C, S, edge_idx):
    return _forward(X, C, S, edge_idx)

if __name__ == "__main__":
    import jax
    _d = setup_inputs()
    print(jax.jit(kernel)(*tuple(_d.values())))

</pallas_src>

<mosaic_0001>
#map = affine_map<(d0, d1) -> (0, 0)>
#map1 = affine_map<(d0, d1) -> (0, 0, 0)>
module attributes {stable_mosaic.version = 14 : i64} {
  func.func @gather_kernel(%arg0: i32, %arg1: i32, %arg2: memref<4160x16xf32, #tpu.memory_space<hbm>>, %arg3: memref<4160x16xf32, #tpu.memory_space<hbm>>, %arg4: memref<4160x16xf32, #tpu.memory_space<hbm>>, %arg5: memref<4160x16xf32, #tpu.memory_space<hbm>>, %arg6: memref<32x8x128xi32, #tpu.memory_space<hbm>>, %arg7: memref<32768x16xf32, #tpu.memory_space<hbm>>, %arg8: memref<32768x16xf32, #tpu.memory_space<hbm>>, %arg9: memref<32768x16xf32, #tpu.memory_space<hbm>>, %arg10: memref<32768x16xf32, #tpu.memory_space<hbm>>, %arg11: memref<8x128xi32, #tpu.memory_space<vmem>>, %arg12: memref<128x16xf32, #tpu.memory_space<vmem>>, %arg13: memref<128x16xf32, #tpu.memory_space<vmem>>, %arg14: memref<128x16xf32, #tpu.memory_space<vmem>>, %arg15: memref<128x16xf32, #tpu.memory_space<vmem>>, %arg16: memref<!tpu.dma_semaphore, #tpu.memory_space<semaphore_mem>>, %arg17: memref<!tpu.dma_semaphore, #tpu.memory_space<semaphore_mem>>, %arg18: memref<!tpu.dma_semaphore, #tpu.memory_space<semaphore_mem>>, %arg19: memref<!tpu.dma_semaphore, #tpu.memory_space<semaphore_mem>>) attributes {dimension_semantics = [#tpu.dimension_semantics<core_parallel>, #tpu.dimension_semantics<subcore_parallel>], iteration_bounds = array<i64: 2, 16>, scalar_prefetch = 0 : i64, scratch_operands = 9 : i64, tpu.core_type = #tpu.core_type<sc_vector_subcore>, window_params = [{transform_indices = #map}, {transform_indices = #map}, {transform_indices = #map}, {transform_indices = #map}, {transform_indices = #map1}, {transform_indices = #map}, {transform_indices = #map}, {transform_indices = #map}, {transform_indices = #map}]} {
    %mul3A = arith.constant 2 : i32
    %mul3A_0 = arith.muli %arg1, %mul3A : i32
    %add3A = arith.addi %mul3A_0, %arg0 : i32
    %mul3A_1 = arith.constant 1024 : i32
    %mul3A_2 = arith.muli %add3A, %mul3A_1 : i32
    "tpu.region"() ({
      %run_scoped3A = tpu.sem_alloc : memref<!tpu.dma_semaphore, #tpu.memory_space<semaphore_mem>>
      %dma_start3A = arith.constant 0 : i32
      %dma_start3A_8 = arith.constant 0 : i32
      %dma_start3A_9 = tpu.memref_slice %arg6[%add3A, %dma_start3A, %dma_start3A_8] : memref<32x8x128xi32, #tpu.memory_space<hbm>> -> memref<1x8x128xi32, #tpu.memory_space<hbm>>
      %dma_start3A_10 = tpu.memref_squeeze %dma_start3A_9 : memref<1x8x128xi32, #tpu.memory_space<hbm>> -> memref<8x128xi32, #tpu.memory_space<hbm>>
      %dma_start3A_11 = arith.constant 0 : i32
      %dma_start3A_12 = arith.constant 0 : i32
      %dma_start3A_13 = tpu.memref_slice %arg6[%add3A, %dma_start3A_11, %dma_start3A_12] : memref<32x8x128xi32, #tpu.memory_space<hbm>> -> memref<1x8x128xi32, #tpu.memory_space<hbm>>
      %dma_start3A_14 = tpu.memref_squeeze %dma_start3A_13 : memref<1x8x128xi32, #tpu.memory_space<hbm>> -> memref<8x128xi32, #tpu.memory_space<hbm>>
      tpu.enqueue_dma source(%dma_start3A_14 : memref<8x128xi32, #tpu.memory_space<hbm>>) target(%arg11 : memref<8x128xi32, #tpu.memory_space<vmem>>) target_semaphore(%run_scoped3A : memref<!tpu.dma_semaphore, #tpu.memory_space<semaphore_mem>>)
      %dma_wait3A = arith.constant 0 : i32
      %dma_wait3A_15 = arith.constant 0 : i32
      %dma_wait3A_16 = tpu.memref_slice %arg6[%add3A, %dma_wait3A, %dma_wait3A_15] : memref<32x8x128xi32, #tpu.memory_space<hbm>> -> memref<1x8x128xi32, #tpu.memory_space<hbm>>
      %dma_wait3A_17 = tpu.memref_squeeze %dma_wait3A_16 : memref<1x8x128xi32, #tpu.memory_space<hbm>> -> memref<8x128xi32, #tpu.memory_space<hbm>>
      %dma_wait3A_18 = arith.constant 0 : i32
      %dma_wait3A_19 = arith.constant 0 : i32
      %dma_wait3A_20 = tpu.memref_slice %arg6[%add3A, %dma_wait3A_18, %dma_wait3A_19] : memref<32x8x128xi32, #tpu.memory_space<hbm>> -> memref<1x8x128xi32, #tpu.memory_space<hbm>>
      %dma_wait3A_21 = tpu.memref_squeeze %dma_wait3A_20 : memref<1x8x128xi32, #tpu.memory_space<hbm>> -> memref<8x128xi32, #tpu.memory_space<hbm>>
      tpu.wait_dma2 semaphore(%run_scoped3A : memref<!tpu.dma_semaphore, #tpu.memory_space<semaphore_mem>>) src(%dma_wait3A_21 : memref<8x128xi32, #tpu.memory_space<hbm>>) dst(%arg11 : memref<8x128xi32, #tpu.memory_space<vmem>>)
      tpu.yield
    }) : () -> ()
    %scan3A = arith.constant 0 : i32
    %scan3A_3 = arith.constant 0 : i32
    %scan3A_4 = arith.constant 8 : i32
    %scan3A_5 = arith.addi %scan3A_3, %scan3A_4 : i32
    %scan3A_6 = arith.constant 1 : i32
    scf.for %scan3A_8 = %scan3A_3 to %scan3A_5 step %scan3A_6  : i32 {
      %mul3A_9 = arith.constant 1 : i32
      %mul3A_10 = arith.muli %scan3A_8, %mul3A_9 : i32
      %add3A_11 = arith.constant 0 : i32
      %add3A_12 = arith.addi %mul3A_10, %add3A_11 : i32
      %dma_start3A = arith.constant 0 : i32
      %dma_start3A_13 = arith.constant 0 : i32
      %dma_start3A_14 = tpu.memref_slice %arg12[%dma_start3A, %dma_start3A_13] : memref<128x16xf32, #tpu.memory_space<vmem>> -> memref<128x16xf32, #tpu.memory_space<vmem>>
      %dma_start3A_15 = arith.constant 0 : i32
      %dma_start3A_16 = tpu.memref_slice %arg11[%add3A_12, %dma_start3A_15] : memref<8x128xi32, #tpu.memory_space<vmem>> -> memref<1x128xi32, #tpu.memory_space<vmem>>
      %dma_start3A_17 = tpu.memref_squeeze %dma_start3A_16 : memref<1x128xi32, #tpu.memory_space<vmem>> -> memref<128xi32, #tpu.memory_space<vmem>>
      %dma_start3A_18 = arith.constant 0 : i32
      %dma_start3A_19 = arith.constant 0 : i32
      %dma_start3A_20 = tpu.memref_slice %arg2[%dma_start3A_18, %dma_start3A_19] : memref<4160x16xf32, #tpu.memory_space<hbm>> -> memref<4160x16xf32, #tpu.memory_space<hbm>>
      tpu.enqueue_indirect_dma source(%dma_start3A_20 : memref<4160x16xf32, #tpu.memory_space<hbm>>) target(%dma_start3A_14 : memref<128x16xf32, #tpu.memory_space<vmem>>) offsets(%dma_start3A_17 : memref<128xi32, #tpu.memory_space<vmem>>) semaphore(%arg16 : memref<!tpu.dma_semaphore, #tpu.memory_space<semaphore_mem>>)
      %mul3A_21 = arith.constant 1 : i32
      %mul3A_22 = arith.muli %scan3A_8, %mul3A_21 : i32
      %add3A_23 = arith.constant 0 : i32
      %add3A_24 = arith.addi %mul3A_22, %add3A_23 : i32
      %dma_start3A_25 = arith.constant 0 : i32
      %dma_start3A_26 = arith.constant 0 : i32
      %dma_start3A_27 = tpu.memref_slice %arg13[%dma_start3A_25, %dma_start3A_26] : memref<128x16xf32, #tpu.memory_space<vmem>> -> memref<128x16xf32, #tpu.memory_space<vmem>>
      %dma_start3A_28 = arith.constant 0 : i32
      %dma_start3A_29 = tpu.memref_slice %arg11[%add3A_24, %dma_start3A_28] : memref<8x128xi32, #tpu.memory_space<vmem>> -> memref<1x128xi32, #tpu.memory_space<vmem>>
      %dma_start3A_30 = tpu.memref_squeeze %dma_start3A_29 : memref<1x128xi32, #tpu.memory_space<vmem>> -> memref<128xi32, #tpu.memory_space<vmem>>
      %dma_start3A_31 = arith.constant 0 : i32
      %dma_start3A_32 = arith.constant 0 : i32
      %dma_start3A_33 = tpu.memref_slice %arg3[%dma_start3A_31, %dma_start3A_32] : memref<4160x16xf32, #tpu.memory_space<hbm>> -> memref<4160x16xf32, #tpu.memory_space<hbm>>
      tpu.enqueue_indirect_dma source(%dma_start3A_33 : memref<4160x16xf32, #tpu.memory_space<hbm>>) target(%dma_start3A_27 : memref<128x16xf32, #tpu.memory_space<vmem>>) offsets(%dma_start3A_30 : memref<128xi32, #tpu.memory_space<vmem>>) semaphore(%arg17 : memref<!tpu.dma_semaphore, #tpu.memory_space<semaphore_mem>>)
      %mul3A_34 = arith.constant 1 : i32
      %mul3A_35 = arith.muli %scan3A_8, %mul3A_34 : i32
      %add3A_36 = arith.constant 0 : i32
      %add3A_37 = arith.addi %mul3A_35, %add3A_36 : i32
      %dma_start3A_38 = arith.constant 0 : i32
      %dma_start3A_39 = arith.constant 0 : i32
      %dma_start3A_40 = tpu.memref_slice %arg14[%dma_start3A_38, %dma_start3A_39] : memref<128x16xf32, #tpu.memory_space<vmem>> -> memref<128x16xf32, #tpu.memory_space<vmem>>
      %dma_start3A_41 = arith.constant 0 : i32
      %dma_start3A_42 = tpu.memref_slice %arg11[%add3A_37, %dma_start3A_41] : memref<8x128xi32, #tpu.memory_space<vmem>> -> memref<1x128xi32, #tpu.memory_space<vmem>>
      %dma_start3A_43 = tpu.memref_squeeze %dma_start3A_42 : memref<1x128xi32, #tpu.memory_space<vmem>> -> memref<128xi32, #tpu.memory_space<vmem>>
      %dma_start3A_44 = arith.constant 0 : i32
      %dma_start3A_45 = arith.constant 0 : i32
      %dma_start3A_46 = tpu.memref_slice %arg4[%dma_start3A_44, %dma_start3A_45] : memref<4160x16xf32, #tpu.memory_space<hbm>> -> memref<4160x16xf32, #tpu.memory_space<hbm>>
      tpu.enqueue_indirect_dma source(%dma_start3A_46 : memref<4160x16xf32, #tpu.memory_space<hbm>>) target(%dma_start3A_40 : memref<128x16xf32, #tpu.memory_space<vmem>>) offsets(%dma_start3A_43 : memref<128xi32, #tpu.memory_space<vmem>>) semaphore(%arg18 : memref<!tpu.dma_semaphore, #tpu.memory_space<semaphore_mem>>)
      %mul3A_47 = arith.constant 1 : i32
      %mul3A_48 = arith.muli %scan3A_8, %mul3A_47 : i32
      %add3A_49 = arith.constant 0 : i32
      %add3A_50 = arith.addi %mul3A_48, %add3A_49 : i32
      %dma_start3A_51 = arith.constant 0 : i32
      %dma_start3A_52 = arith.constant 0 : i32
      %dma_start3A_53 = tpu.memref_slice %arg15[%dma_start3A_51, %dma_start3A_52] : memref<128x16xf32, #tpu.memory_space<vmem>> -> memref<128x16xf32, #tpu.memory_space<vmem>>
      %dma_start3A_54 = arith.constant 0 : i32
      %dma_start3A_55 = tpu.memref_slice %arg11[%add3A_50, %dma_start3A_54] : memref<8x128xi32, #tpu.memory_space<vmem>> -> memref<1x128xi32, #tpu.memory_space<vmem>>
      %dma_start3A_56 = tpu.memref_squeeze %dma_start3A_55 : memref<1x128xi32, #tpu.memory_space<vmem>> -> memref<128xi32, #tpu.memory_space<vmem>>
      %dma_start3A_57 = arith.constant 0 : i32
      %dma_start3A_58 = arith.constant 0 : i32
      %dma_start3A_59 = tpu.memref_slice %arg5[%dma_start3A_57, %dma_start3A_58] : memref<4160x16xf32, #tpu.memory_space<hbm>> -> memref<4160x16xf32, #tpu.memory_space<hbm>>
      tpu.enqueue_indirect_dma source(%dma_start3A_59 : memref<4160x16xf32, #tpu.memory_space<hbm>>) target(%dma_start3A_53 : memref<128x16xf32, #tpu.memory_space<vmem>>) offsets(%dma_start3A_56 : memref<128xi32, #tpu.memory_space<vmem>>) semaphore(%arg19 : memref<!tpu.dma_semaphore, #tpu.memory_space<semaphore_mem>>)
      %dma_wait3A = arith.constant 0 : i32
      %dma_wait3A_60 = arith.constant 0 : i32
      %dma_wait3A_61 = tpu.memref_slice %arg12[%dma_wait3A, %dma_wait3A_60] : memref<128x16xf32, #tpu.memory_space<vmem>> -> memref<128x16xf32, #tpu.memory_space<vmem>>
      %dma_wait3A_62 = arith.constant 0 : i32
      %dma_wait3A_63 = tpu.memref_slice %arg11[%add3A_12, %dma_wait3A_62] : memref<8x128xi32, #tpu.memory_space<vmem>> -> memref<1x128xi32, #tpu.memory_space<vmem>>
      %dma_wait3A_64 = tpu.memref_squeeze %dma_wait3A_63 : memref<1x128xi32, #tpu.memory_space<vmem>> -> memref<128xi32, #tpu.memory_space<vmem>>
      %dma_wait3A_65 = arith.constant 0 : i32
      %dma_wait3A_66 = arith.constant 0 : i32
      %dma_wait3A_67 = tpu.memref_slice %arg2[%dma_wait3A_65, %dma_wait3A_66] : memref<4160x16xf32, #tpu.memory_space<hbm>> -> memref<4160x16xf32, #tpu.memory_space<hbm>>
      tpu.wait_indirect_dma semaphore(%arg16 : memref<!tpu.dma_semaphore, #tpu.memory_space<semaphore_mem>>) src(%dma_wait3A_67 : memref<4160x16xf32, #tpu.memory_space<hbm>>) dst(%dma_wait3A_61 : memref<128x16xf32, #tpu.memory_space<vmem>>)
      %dma_wait3A_68 = arith.constant 0 : i32
      %dma_wait3A_69 = arith.constant 0 : i32
      %dma_wait3A_70 = tpu.memref_slice %arg13[%dma_wait3A_68, %dma_wait3A_69] : memref<128x16xf32, #tpu.memory_space<vmem>> -> memref<128x16xf32, #tpu.memory_space<vmem>>
      %dma_wait3A_71 = arith.constant 0 : i32
      %dma_wait3A_72 = tpu.memref_slice %arg11[%add3A_24, %dma_wait3A_71] : memref<8x128xi32, #tpu.memory_space<vmem>> -> memref<1x128xi32, #tpu.memory_space<vmem>>
      %dma_wait3A_73 = tpu.memref_squeeze %dma_wait3A_72 : memref<1x128xi32, #tpu.memory_space<vmem>> -> memref<128xi32, #tpu.memory_space<vmem>>
      %dma_wait3A_74 = arith.constant 0 : i32
      %dma_wait3A_75 = arith.constant 0 : i32
      %dma_wait3A_76 = tpu.memref_slice %arg3[%dma_wait3A_74, %dma_wait3A_75] : memref<4160x16xf32, #tpu.memory_space<hbm>> -> memref<4160x16xf32, #tpu.memory_space<hbm>>
      tpu.wait_indirect_dma semaphore(%arg17 : memref<!tpu.dma_semaphore, #tpu.memory_space<semaphore_mem>>) src(%dma_wait3A_76 : memref<4160x16xf32, #tpu.memory_space<hbm>>) dst(%dma_wait3A_70 : memref<128x16xf32, #tpu.memory_space<vmem>>)
      %dma_wait3A_77 = arith.constant 0 : i32
      %dma_wait3A_78 = arith.constant 0 : i32
      %dma_wait3A_79 = tpu.memref_slice %arg14[%dma_wait3A_77, %dma_wait3A_78] : memref<128x16xf32, #tpu.memory_space<vmem>> -> memref<128x16xf32, #tpu.memory_space<vmem>>
      %dma_wait3A_80 = arith.constant 0 : i32
      %dma_wait3A_81 = tpu.memref_slice %arg11[%add3A_37, %dma_wait3A_80] : memref<8x128xi32, #tpu.memory_space<vmem>> -> memref<1x128xi32, #tpu.memory_space<vmem>>
      %dma_wait3A_82 = tpu.memref_squeeze %dma_wait3A_81 : memref<1x128xi32, #tpu.memory_space<vmem>> -> memref<128xi32, #tpu.memory_space<vmem>>
      %dma_wait3A_83 = arith.constant 0 : i32
      %dma_wait3A_84 = arith.constant 0 : i32
      %dma_wait3A_85 = tpu.memref_slice %arg4[%dma_wait3A_83, %dma_wait3A_84] : memref<4160x16xf32, #tpu.memory_space<hbm>> -> memref<4160x16xf32, #tpu.memory_space<hbm>>
      tpu.wait_indirect_dma semaphore(%arg18 : memref<!tpu.dma_semaphore, #tpu.memory_space<semaphore_mem>>) src(%dma_wait3A_85 : memref<4160x16xf32, #tpu.memory_space<hbm>>) dst(%dma_wait3A_79 : memref<128x16xf32, #tpu.memory_space<vmem>>)
      %dma_wait3A_86 = arith.constant 0 : i32
      %dma_wait3A_87 = arith.constant 0 : i32
      %dma_wait3A_88 = tpu.memref_slice %arg15[%dma_wait3A_86, %dma_wait3A_87] : memref<128x16xf32, #tpu.memory_space<vmem>> -> memref<128x16xf32, #tpu.memory_space<vmem>>
      %dma_wait3A_89 = arith.constant 0 : i32
      %dma_wait3A_90 = tpu.memref_slice %arg11[%add3A_50, %dma_wait3A_89] : memref<8x128xi32, #tpu.memory_space<vmem>> -> memref<1x128xi32, #tpu.memory_space<vmem>>
      %dma_wait3A_91 = tpu.memref_squeeze %dma_wait3A_90 : memref<1x128xi32, #tpu.memory_space<vmem>> -> memref<128xi32, #tpu.memory_space<vmem>>
      %dma_wait3A_92 = arith.constant 0 : i32
      %dma_wait3A_93 = arith.constant 0 : i32
      %dma_wait3A_94 = tpu.memref_slice %arg5[%dma_wait3A_92, %dma_wait3A_93] : memref<4160x16xf32, #tpu.memory_space<hbm>> -> memref<4160x16xf32, #tpu.memory_space<hbm>>
      tpu.wait_indirect_dma semaphore(%arg19 : memref<!tpu.dma_semaphore, #tpu.memory_space<semaphore_mem>>) src(%dma_wait3A_94 : memref<4160x16xf32, #tpu.memory_space<hbm>>) dst(%dma_wait3A_88 : memref<128x16xf32, #tpu.memory_space<vmem>>)
      %mul3A_95 = arith.constant 128 : i32
      %mul3A_96 = arith.muli %scan3A_8, %mul3A_95 : i32
      %add3A_97 = arith.addi %mul3A_2, %mul3A_96 : i32
      "tpu.region"() ({
        %run_scoped3A = tpu.sem_alloc : memref<!tpu.dma_semaphore, #tpu.memory_space<semaphore_mem>>
        %dma_start3A_98 = arith.constant 0 : i32
        %dma_start3A_99 = tpu.memref_slice %arg7[%add3A_97, %dma_start3A_98] : memref<32768x16xf32, #tpu.memory_space<hbm>> -> memref<128x16xf32, #tpu.memory_space<hbm>>
        %dma_start3A_100 = arith.constant 0 : i32
        %dma_start3A_101 = tpu.memref_slice %arg7[%add3A_97, %dma_start3A_100] : memref<32768x16xf32, #tpu.memory_space<hbm>> -> memref<128x16xf32, #tpu.memory_space<hbm>>
        tpu.enqueue_dma source(%arg12 : memref<128x16xf32, #tpu.memory_space<vmem>>) target(%dma_start3A_101 : memref<128x16xf32, #tpu.memory_space<hbm>>) target_semaphore(%run_scoped3A : memref<!tpu.dma_semaphore, #tpu.memory_space<semaphore_mem>>)
        %dma_wait3A_102 = arith.constant 0 : i32
        %dma_wait3A_103 = tpu.memref_slice %arg7[%add3A_97, %dma_wait3A_102] : memref<32768x16xf32, #tpu.memory_space<hbm>> -> memref<128x16xf32, #tpu.memory_space<hbm>>
        %dma_wait3A_104 = arith.constant 0 : i32
        %dma_wait3A_105 = tpu.memref_slice %arg7[%add3A_97, %dma_wait3A_104] : memref<32768x16xf32, #tpu.memory_space<hbm>> -> memref<128x16xf32, #tpu.memory_space<hbm>>
        tpu.wait_dma2 semaphore(%run_scoped3A : memref<!tpu.dma_semaphore, #tpu.memory_space<semaphore_mem>>) src(%arg12 : memref<128x16xf32, #tpu.memory_space<vmem>>) dst(%dma_wait3A_105 : memref<128x16xf32, #tpu.memory_space<hbm>>)
        tpu.yield
      }) : () -> ()
      "tpu.region"() ({
        %run_scoped3A = tpu.sem_alloc : memref<!tpu.dma_semaphore, #tpu.memory_space<semaphore_mem>>
        %dma_start3A_98 = arith.constant 0 : i32
        %dma_start3A_99 = tpu.memref_slice %arg8[%add3A_97, %dma_start3A_98] : memref<32768x16xf32, #tpu.memory_space<hbm>> -> memref<128x16xf32, #tpu.memory_space<hbm>>
        %dma_start3A_100 = arith.constant 0 : i32
        %dma_start3A_101 = tpu.memref_slice %arg8[%add3A_97, %dma_start3A_100] : memref<32768x16xf32, #tpu.memory_space<hbm>> -> memref<128x16xf32, #tpu.memory_space<hbm>>
        tpu.enqueue_dma source(%arg13 : memref<128x16xf32, #tpu.memory_space<vmem>>) target(%dma_start3A_101 : memref<128x16xf32, #tpu.memory_space<hbm>>) target_semaphore(%run_scoped3A : memref<!tpu.dma_semaphore, #tpu.memory_space<semaphore_mem>>)
        %dma_wait3A_102 = arith.constant 0 : i32
        %dma_wait3A_103 = tpu.memref_slice %arg8[%add3A_97, %dma_wait3A_102] : memref<32768x16xf32, #tpu.memory_space<hbm>> -> memref<128x16xf32, #tpu.memory_space<hbm>>
        %dma_wait3A_104 = arith.constant 0 : i32
        %dma_wait3A_105 = tpu.memref_slice %arg8[%add3A_97, %dma_wait3A_104] : memref<32768x16xf32, #tpu.memory_space<hbm>> -> memref<128x16xf32, #tpu.memory_space<hbm>>
        tpu.wait_dma2 semaphore(%run_scoped3A : memref<!tpu.dma_semaphore, #tpu.memory_space<semaphore_mem>>) src(%arg13 : memref<128x16xf32, #tpu.memory_space<vmem>>) dst(%dma_wait3A_105 : memref<128x16xf32, #tpu.memory_space<hbm>>)
        tpu.yield
      }) : () -> ()
      "tpu.region"() ({
        %run_scoped3A = tpu.sem_alloc : memref<!tpu.dma_semaphore, #tpu.memory_space<semaphore_mem>>
        %dma_start3A_98 = arith.constant 0 : i32
        %dma_start3A_99 = tpu.memref_slice %arg9[%add3A_97, %dma_start3A_98] : memref<32768x16xf32, #tpu.memory_space<hbm>> -> memref<128x16xf32, #tpu.memory_space<hbm>>
        %dma_start3A_100 = arith.constant 0 : i32
        %dma_start3A_101 = tpu.memref_slice %arg9[%add3A_97, %dma_start3A_100] : memref<32768x16xf32, #tpu.memory_space<hbm>> -> memref<128x16xf32, #tpu.memory_space<hbm>>
        tpu.enqueue_dma source(%arg14 : memref<128x16xf32, #tpu.memory_space<vmem>>) target(%dma_start3A_101 : memref<128x16xf32, #tpu.memory_space<hbm>>) target_semaphore(%run_scoped3A : memref<!tpu.dma_semaphore, #tpu.memory_space<semaphore_mem>>)
        %dma_wait3A_102 = arith.constant 0 : i32
        %dma_wait3A_103 = tpu.memref_slice %arg9[%add3A_97, %dma_wait3A_102] : memref<32768x16xf32, #tpu.memory_space<hbm>> -> memref<128x16xf32, #tpu.memory_space<hbm>>
        %dma_wait3A_104 = arith.constant 0 : i32
        %dma_wait3A_105 = tpu.memref_slice %arg9[%add3A_97, %dma_wait3A_104] : memref<32768x16xf32, #tpu.memory_space<hbm>> -> memref<128x16xf32, #tpu.memory_space<hbm>>
        tpu.wait_dma2 semaphore(%run_scoped3A : memref<!tpu.dma_semaphore, #tpu.memory_space<semaphore_mem>>) src(%arg14 : memref<128x16xf32, #tpu.memory_space<vmem>>) dst(%dma_wait3A_105 : memref<128x16xf32, #tpu.memory_space<hbm>>)
        tpu.yield
      }) : () -> ()
      "tpu.region"() ({
        %run_scoped3A = tpu.sem_alloc : memref<!tpu.dma_semaphore, #tpu.memory_space<semaphore_mem>>
        %dma_start3A_98 = arith.constant 0 : i32
        %dma_start3A_99 = tpu.memref_slice %arg10[%add3A_97, %dma_start3A_98] : memref<32768x16xf32, #tpu.memory_space<hbm>> -> memref<128x16xf32, #tpu.memory_space<hbm>>
        %dma_start3A_100 = arith.constant 0 : i32
        %dma_start3A_101 = tpu.memref_slice %arg10[%add3A_97, %dma_start3A_100] : memref<32768x16xf32, #tpu.memory_space<hbm>> -> memref<128x16xf32, #tpu.memory_space<hbm>>
        tpu.enqueue_dma source(%arg15 : memref<128x16xf32, #tpu.memory_space<vmem>>) target(%dma_start3A_101 : memref<128x16xf32, #tpu.memory_space<hbm>>) target_semaphore(%run_scoped3A : memref<!tpu.dma_semaphore, #tpu.memory_space<semaphore_mem>>)
        %dma_wait3A_102 = arith.constant 0 : i32
        %dma_wait3A_103 = tpu.memref_slice %arg10[%add3A_97, %dma_wait3A_102] : memref<32768x16xf32, #tpu.memory_space<hbm>> -> memref<128x16xf32, #tpu.memory_space<hbm>>
        %dma_wait3A_104 = arith.constant 0 : i32
        %dma_wait3A_105 = tpu.memref_slice %arg10[%add3A_97, %dma_wait3A_104] : memref<32768x16xf32, #tpu.memory_space<hbm>> -> memref<128x16xf32, #tpu.memory_space<hbm>>
        tpu.wait_dma2 semaphore(%run_scoped3A : memref<!tpu.dma_semaphore, #tpu.memory_space<semaphore_mem>>) src(%arg15 : memref<128x16xf32, #tpu.memory_space<vmem>>) dst(%dma_wait3A_105 : memref<128x16xf32, #tpu.memory_space<hbm>>)
        tpu.yield
      }) : () -> ()
    }
    %scan3A_7 = arith.constant 8 : i32
    return
  }
}

#map = affine_map<(d0, d1) -> (0, 0)>
#map1 = affine_map<(d0, d1) -> (0, 0, 0)>
module attributes {stable_mosaic.version = 14 : i64} {
  func.func @gather_kernel(%arg0: i32, %arg1: i32, %arg2: memref<4160x16xf32, #tpu.memory_space<hbm>>, %arg3: memref<4160x16xf32, #tpu.memory_space<hbm>>, %arg4: memref<4160x16xf32, #tpu.memory_space<hbm>>, %arg5: memref<4160x16xf32, #tpu.memory_space<hbm>>, %arg6: memref<32x8x128xi32, #tpu.memory_space<hbm>>, %arg7: memref<32768x16xf32, #tpu.memory_space<hbm>>, %arg8: memref<32768x16xf32, #tpu.memory_space<hbm>>, %arg9: memref<32768x16xf32, #tpu.memory_space<hbm>>, %arg10: memref<32768x16xf32, #tpu.memory_space<hbm>>, %arg11: memref<8x128xi32, #tpu.memory_space<vmem>>, %arg12: memref<128x16xf32, #tpu.memory_space<vmem>>, %arg13: memref<128x16xf32, #tpu.memory_space<vmem>>, %arg14: memref<128x16xf32, #tpu.memory_space<vmem>>, %arg15: memref<128x16xf32, #tpu.memory_space<vmem>>, %arg16: memref<!tpu.dma_semaphore, #tpu.memory_space<semaphore_mem>>, %arg17: memref<!tpu.dma_semaphore, #tpu.memory_space<semaphore_mem>>, %arg18: memref<!tpu.dma_semaphore, #tpu.memory_space<semaphore_mem>>, %arg19: memref<!tpu.dma_semaphore, #tpu.memory_space<semaphore_mem>>) attributes {dimension_semantics = [#tpu.dimension_semantics<core_parallel>, #tpu.dimension_semantics<subcore_parallel>], iteration_bounds = array<i64: 2, 16>, scalar_prefetch = 0 : i64, scratch_operands = 9 : i64, tpu.core_type = #tpu.core_type<sc_vector_subcore>, window_params = [{transform_indices = #map}, {transform_indices = #map}, {transform_indices = #map}, {transform_indices = #map}, {transform_indices = #map1}, {transform_indices = #map}, {transform_indices = #map}, {transform_indices = #map}, {transform_indices = #map}]} {
    %mul3A = arith.constant 2 : i32
    %mul3A_0 = arith.muli %arg1, %mul3A : i32
    %add3A = arith.addi %mul3A_0, %arg0 : i32
    %mul3A_1 = arith.constant 1024 : i32
    %mul3A_2 = arith.muli %add3A, %mul3A_1 : i32
    "tpu.region"() ({
      %run_scoped3A = tpu.sem_alloc : memref<!tpu.dma_semaphore, #tpu.memory_space<semaphore_mem>>
      %dma_start3A = arith.constant 0 : i32
      %dma_start3A_8 = arith.constant 0 : i32
      %dma_start3A_9 = tpu.memref_slice %arg6[%add3A, %dma_start3A, %dma_start3A_8] : memref<32x8x128xi32, #tpu.memory_space<hbm>> -> memref<1x8x128xi32, #tpu.memory_space<hbm>>
      %dma_start3A_10 = tpu.memref_squeeze %dma_start3A_9 : memref<1x8x128xi32, #tpu.memory_space<hbm>> -> memref<8x128xi32, #tpu.memory_space<hbm>>
      %dma_start3A_11 = arith.constant 0 : i32
      %dma_start3A_12 = arith.constant 0 : i32
      %dma_start3A_13 = tpu.memref_slice %arg6[%add3A, %dma_start3A_11, %dma_start3A_12] : memref<32x8x128xi32, #tpu.memory_space<hbm>> -> memref<1x8x128xi32, #tpu.memory_space<hbm>>
      %dma_start3A_14 = tpu.memref_squeeze %dma_start3A_13 : memref<1x8x128xi32, #tpu.memory_space<hbm>> -> memref<8x128xi32, #tpu.memory_space<hbm>>
      tpu.enqueue_dma source(%dma_start3A_14 : memref<8x128xi32, #tpu.memory_space<hbm>>) target(%arg11 : memref<8x128xi32, #tpu.memory_space<vmem>>) target_semaphore(%run_scoped3A : memref<!tpu.dma_semaphore, #tpu.memory_space<semaphore_mem>>)
      %dma_wait3A = arith.constant 0 : i32
      %dma_wait3A_15 = arith.constant 0 : i32
      %dma_wait3A_16 = tpu.memref_slice %arg6[%add3A, %dma_wait3A, %dma_wait3A_15] : memref<32x8x128xi32, #tpu.memory_space<hbm>> -> memref<1x8x128xi32, #tpu.memory_space<hbm>>
      %dma_wait3A_17 = tpu.memref_squeeze %dma_wait3A_16 : memref<1x8x128xi32, #tpu.memory_space<hbm>> -> memref<8x128xi32, #tpu.memory_space<hbm>>
      %dma_wait3A_18 = arith.constant 0 : i32
      %dma_wait3A_19 = arith.constant 0 : i32
      %dma_wait3A_20 = tpu.memref_slice %arg6[%add3A, %dma_wait3A_18, %dma_wait3A_19] : memref<32x8x128xi32, #tpu.memory_space<hbm>> -> memref<1x8x128xi32, #tpu.memory_space<hbm>>
      %dma_wait3A_21 = tpu.memref_squeeze %dma_wait3A_20 : memref<1x8x128xi32, #tpu.memory_space<hbm>> -> memref<8x128xi32, #tpu.memory_space<hbm>>
      tpu.wait_dma2 semaphore(%run_scoped3A : memref<!tpu.dma_semaphore, #tpu.memory_space<semaphore_mem>>) src(%dma_wait3A_21 : memref<8x128xi32, #tpu.memory_space<hbm>>) dst(%arg11 : memref<8x128xi32, #tpu.memory_space<vmem>>)
      tpu.yield
    }) : () -> ()
    %scan3A = arith.constant 0 : i32
    %scan3A_3 = arith.constant 0 : i32
    %scan3A_4 = arith.constant 8 : i32
    %scan3A_5 = arith.addi %scan3A_3, %scan3A_4 : i32
    %scan3A_6 = arith.constant 1 : i32
    scf.for %scan3A_8 = %scan3A_3 to %scan3A_5 step %scan3A_6  : i32 {
      %mul3A_9 = arith.constant 1 : i32
      %mul3A_10 = arith.muli %scan3A_8, %mul3A_9 : i32
      %add3A_11 = arith.constant 0 : i32
      %add3A_12 = arith.addi %mul3A_10, %add3A_11 : i32
      %dma_start3A = arith.constant 0 : i32
      %dma_start3A_13 = arith.constant 0 : i32
      %dma_start3A_14 = tpu.memref_slice %arg12[%dma_start3A, %dma_start3A_13] : memref<128x16xf32, #tpu.memory_space<vmem>> -> memref<128x16xf32, #tpu.memory_space<vmem>>
      %dma_start3A_15 = arith.constant 0 : i32
      %dma_start3A_16 = tpu.memref_slice %arg11[%add3A_12, %dma_start3A_15] : memref<8x128xi32, #tpu.memory_space<vmem>> -> memref<1x128xi32, #tpu.memory_space<vmem>>
      %dma_start3A_17 = tpu.memref_squeeze %dma_start3A_16 : memref<1x128xi32, #tpu.memory_space<vmem>> -> memref<128xi32, #tpu.memory_space<vmem>>
      %dma_start3A_18 = arith.constant 0 : i32
      %dma_start3A_19 = arith.constant 0 : i32
      %dma_start3A_20 = tpu.memref_slice %arg2[%dma_start3A_18, %dma_start3A_19] : memref<4160x16xf32, #tpu.memory_space<hbm>> -> memref<4160x16xf32, #tpu.memory_space<hbm>>
      tpu.enqueue_indirect_dma source(%dma_start3A_20 : memref<4160x16xf32, #tpu.memory_space<hbm>>) target(%dma_start3A_14 : memref<128x16xf32, #tpu.memory_space<vmem>>) offsets(%dma_start3A_17 : memref<128xi32, #tpu.memory_space<vmem>>) semaphore(%arg16 : memref<!tpu.dma_semaphore, #tpu.memory_space<semaphore_mem>>)
      %mul3A_21 = arith.constant 1 : i32
      %mul3A_22 = arith.muli %scan3A_8, %mul3A_21 : i32
      %add3A_23 = arith.constant 0 : i32
      %add3A_24 = arith.addi %mul3A_22, %add3A_23 : i32
      %dma_start3A_25 = arith.constant 0 : i32
      %dma_start3A_26 = arith.constant 0 : i32
      %dma_start3A_27 = tpu.memref_slice %arg13[%dma_start3A_25, %dma_start3A_26] : memref<128x16xf32, #tpu.memory_space<vmem>> -> memref<128x16xf32, #tpu.memory_space<vmem>>
      %dma_start3A_28 = arith.constant 0 : i32
      %dma_start3A_29 = tpu.memref_slice %arg11[%add3A_24, %dma_start3A_28] : memref<8x128xi32, #tpu.memory_space<vmem>> -> memref<1x128xi32, #tpu.memory_space<vmem>>
      %dma_start3A_30 = tpu.memref_squeeze %dma_start3A_29 : memref<1x128xi32, #tpu.memory_space<vmem>> -> memref<128xi32, #tpu.memory_space<vmem>>
      %dma_start3A_31 = arith.constant 0 : i32
      %dma_start3A_32 = arith.constant 0 : i32
      %dma_start3A_33 = tpu.memref_slice %arg3[%dma_start3A_31, %dma_start3A_32] : memref<4160x16xf32, #tpu.memory_space<hbm>> -> memref<4160x16xf32, #tpu.memory_space<hbm>>
      tpu.enqueue_indirect_dma source(%dma_start3A_33 : memref<4160x16xf32, #tpu.memory_space<hbm>>) target(%dma_start3A_27 : memref<128x16xf32, #tpu.memory_space<vmem>>) offsets(%dma_start3A_30 : memref<128xi32, #tpu.memory_space<vmem>>) semaphore(%arg17 : memref<!tpu.dma_semaphore, #tpu.memory_space<semaphore_mem>>)
      %mul3A_34 = arith.constant 1 : i32
      %mul3A_35 = arith.muli %scan3A_8, %mul3A_34 : i32
      %add3A_36 = arith.constant 0 : i32
      %add3A_37 = arith.addi %mul3A_35, %add3A_36 : i32
      %dma_start3A_38 = arith.constant 0 : i32
      %dma_start3A_39 = arith.constant 0 : i32
      %dma_start3A_40 = tpu.memref_slice %arg14[%dma_start3A_38, %dma_start3A_39] : memref<128x16xf32, #tpu.memory_space<vmem>> -> memref<128x16xf32, #tpu.memory_space<vmem>>
      %dma_start3A_41 = arith.constant 0 : i32
      %dma_start3A_42 = tpu.memref_slice %arg11[%add3A_37, %dma_start3A_41] : memref<8x128xi32, #tpu.memory_space<vmem>> -> memref<1x128xi32, #tpu.memory_space<vmem>>
      %dma_start3A_43 = tpu.memref_squeeze %dma_start3A_42 : memref<1x128xi32, #tpu.memory_space<vmem>> -> memref<128xi32, #tpu.memory_space<vmem>>
      %dma_start3A_44 = arith.constant 0 : i32
      %dma_start3A_45 = arith.constant 0 : i32
      %dma_start3A_46 = tpu.memref_slice %arg4[%dma_start3A_44, %dma_start3A_45] : memref<4160x16xf32, #tpu.memory_space<hbm>> -> memref<4160x16xf32, #tpu.memory_space<hbm>>
      tpu.enqueue_indirect_dma source(%dma_start3A_46 : memref<4160x16xf32, #tpu.memory_space<hbm>>) target(%dma_start3A_40 : memref<128x16xf32, #tpu.memory_space<vmem>>) offsets(%dma_start3A_43 : memref<128xi32, #tpu.memory_space<vmem>>) semaphore(%arg18 : memref<!tpu.dma_semaphore, #tpu.memory_space<semaphore_mem>>)
      %mul3A_47 = arith.constant 1 : i32
      %mul3A_48 = arith.muli %scan3A_8, %mul3A_47 : i32
      %add3A_49 = arith.constant 0 : i32
      %add3A_50 = arith.addi %mul3A_48, %add3A_49 : i32
      %dma_start3A_51 = arith.constant 0 : i32
      %dma_start3A_52 = arith.constant 0 : i32
      %dma_start3A_53 = tpu.memref_slice %arg15[%dma_start3A_51, %dma_start3A_52] : memref<128x16xf32, #tpu.memory_space<vmem>> -> memref<128x16xf32, #tpu.memory_space<vmem>>
      %dma_start3A_54 = arith.constant 0 : i32
      %dma_start3A_55 = tpu.memref_slice %arg11[%add3A_50, %dma_start3A_54] : memref<8x128xi32, #tpu.memory_space<vmem>> -> memref<1x128xi32, #tpu.memory_space<vmem>>
      %dma_start3A_56 = tpu.memref_squeeze %dma_start3A_55 : memref<1x128xi32, #tpu.memory_space<vmem>> -> memref<128xi32, #tpu.memory_space<vmem>>
      %dma_start3A_57 = arith.constant 0 : i32
      %dma_start3A_58 = arith.constant 0 : i32
      %dma_start3A_59 = tpu.memref_slice %arg5[%dma_start3A_57, %dma_start3A_58] : memref<4160x16xf32, #tpu.memory_space<hbm>> -> memref<4160x16xf32, #tpu.memory_space<hbm>>
      tpu.enqueue_indirect_dma source(%dma_start3A_59 : memref<4160x16xf32, #tpu.memory_space<hbm>>) target(%dma_start3A_53 : memref<128x16xf32, #tpu.memory_space<vmem>>) offsets(%dma_start3A_56 : memref<128xi32, #tpu.memory_space<vmem>>) semaphore(%arg19 : memref<!tpu.dma_semaphore, #tpu.memory_space<semaphore_mem>>)
      %dma_wait3A = arith.constant 0 : i32
      %dma_wait3A_60 = arith.constant 0 : i32
      %dma_wait3A_61 = tpu.memref_slice %arg12[%dma_wait3A, %dma_wait3A_60] : memref<128x16xf32, #tpu.memory_space<vmem>> -> memref<128x16xf32, #tpu.memory_space<vmem>>
      %dma_wait3A_62 = arith.constant 0 : i32
      %dma_wait3A_63 = tpu.memref_slice %arg11[%add3A_12, %dma_wait3A_62] : memref<8x128xi32, #tpu.memory_space<vmem>> -> memref<1x128xi32, #tpu.memory_space<vmem>>
      %dma_wait3A_64 = tpu.memref_squeeze %dma_wait3A_63 : memref<1x128xi32, #tpu.memory_space<vmem>> -> memref<128xi32, #tpu.memory_space<vmem>>
      %dma_wait3A_65 = arith.constant 0 : i32
      %dma_wait3A_66 = arith.constant 0 : i32
      %dma_wait3A_67 = tpu.memref_slice %arg2[%dma_wait3A_65, %dma_wait3A_66] : memref<4160x16xf32, #tpu.memory_space<hbm>> -> memref<4160x16xf32, #tpu.memory_space<hbm>>
      tpu.wait_indirect_dma semaphore(%arg16 : memref<!tpu.dma_semaphore, #tpu.memory_space<semaphore_mem>>) src(%dma_wait3A_67 : memref<4160x16xf32, #tpu.memory_space<hbm>>) dst(%dma_wait3A_61 : memref<128x16xf32, #tpu.memory_space<vmem>>)
      %dma_wait3A_68 = arith.constant 0 : i32
      %dma_wait3A_69 = arith.constant 0 : i32
      %dma_wait3A_70 = tpu.memref_slice %arg13[%dma_wait3A_68, %dma_wait3A_69] : memref<128x16xf32, #tpu.memory_space<vmem>> -> memref<128x16xf32, #tpu.memory_space<vmem>>
      %dma_wait3A_71 = arith.constant 0 : i32
      %dma_wait3A_72 = tpu.memref_slice %arg11[%add3A_24, %dma_wait3A_71] : memref<8x128xi32, #tpu.memory_space<vmem>> -> memref<1x128xi32, #tpu.memory_space<vmem>>
      %dma_wait3A_73 = tpu.memref_squeeze %dma_wait3A_72 : memref<1x128xi32, #tpu.memory_space<vmem>> -> memref<128xi32, #tpu.memory_space<vmem>>
      %dma_wait3A_74 = arith.constant 0 : i32
      %dma_wait3A_75 = arith.constant 0 : i32
      %dma_wait3A_76 = tpu.memref_slice %arg3[%dma_wait3A_74, %dma_wait3A_75] : memref<4160x16xf32, #tpu.memory_space<hbm>> -> memref<4160x16xf32, #tpu.memory_space<hbm>>
      tpu.wait_indirect_dma semaphore(%arg17 : memref<!tpu.dma_semaphore, #tpu.memory_space<semaphore_mem>>) src(%dma_wait3A_76 : memref<4160x16xf32, #tpu.memory_space<hbm>>) dst(%dma_wait3A_70 : memref<128x16xf32, #tpu.memory_space<vmem>>)
      %dma_wait3A_77 = arith.constant 0 : i32
      %dma_wait3A_78 = arith.constant 0 : i32
      %dma_wait3A_79 = tpu.memref_slice %arg14[%dma_wait3A_77, %dma_wait3A_78] : memref<128x16xf32, #tpu.memory_space<vmem>> -> memref<128x16xf32, #tpu.memory_space<vmem>>
      %dma_wait3A_80 = arith.constant 0 : i32
      %dma_wait3A_81 = tpu.memref_slice %arg11[%add3A_37, %dma_wait3A_80] : memref<8x128xi32, #tpu.memory_space<vmem>> -> memref<1x128xi32, #tpu.memory_space<vmem>>
      %dma_wait3A_82 = tpu.memref_squeeze %dma_wait3A_81 : memref<1x128xi32, #tpu.memory_space<vmem>> -> memref<128xi32, #tpu.memory_space<vmem>>
      %dma_wait3A_83 = arith.constant 0 : i32
      %dma_wait3A_84 = arith.constant 0 : i32
      %dma_wait3A_85 = tpu.memref_slice %arg4[%dma_wait3A_83, %dma_wait3A_84] : memref<4160x16xf32, #tpu.memory_space<hbm>> -> memref<4160x16xf32, #tpu.memory_space<hbm>>
      tpu.wait_indirect_dma semaphore(%arg18 : memref<!tpu.dma_semaphore, #tpu.memory_space<semaphore_mem>>) src(%dma_wait3A_85 : memref<4160x16xf32, #tpu.memory_space<hbm>>) dst(%dma_wait3A_79 : memref<128x16xf32, #tpu.memory_space<vmem>>)
      %dma_wait3A_86 = arith.constant 0 : i32
      %dma_wait3A_87 = arith.constant 0 : i32
      %dma_wait3A_88 = tpu.memref_slice %arg15[%dma_wait3A_86, %dma_wait3A_87] : memref<128x16xf32, #tpu.memory_space<vmem>> -> memref<128x16xf32, #tpu.memory_space<vmem>>
      %dma_wait3A_89 = arith.constant 0 : i32
      %dma_wait3A_90 = tpu.memref_slice %arg11[%add3A_50, %dma_wait3A_89] : memref<8x128xi32, #tpu.memory_space<vmem>> -> memref<1x128xi32, #tpu.memory_space<vmem>>
      %dma_wait3A_91 = tpu.memref_squeeze %dma_wait3A_90 : memref<1x128xi32, #tpu.memory_space<vmem>> -> memref<128xi32, #tpu.memory_space<vmem>>
      %dma_wait3A_92 = arith.constant 0 : i32
      %dma_wait3A_93 = arith.constant 0 : i32
      %dma_wait3A_94 = tpu.memref_slice %arg5[%dma_wait3A_92, %dma_wait3A_93] : memref<4160x16xf32, #tpu.memory_space<hbm>> -> memref<4160x16xf32, #tpu.memory_space<hbm>>
      tpu.wait_indirect_dma semaphore(%arg19 : memref<!tpu.dma_semaphore, #tpu.memory_space<semaphore_mem>>) src(%dma_wait3A_94 : memref<4160x16xf32, #tpu.memory_space<hbm>>) dst(%dma_wait3A_88 : memref<128x16xf32, #tpu.memory_space<vmem>>)
      %mul3A_95 = arith.constant 128 : i32
      %mul3A_96 = arith.muli %scan3A_8, %mul3A_95 : i32
      %add3A_97 = arith.addi %mul3A_2, %mul3A_96 : i32
      "tpu.region"() ({
        %run_scoped3A = tpu.sem_alloc : memref<!tpu.dma_semaphore, #tpu.memory_space<semaphore_mem>>
        %dma_start3A_98 = arith.constant 0 : i32
        %dma_start3A_99 = tpu.memref_slice %arg7[%add3A_97, %dma_start3A_98] : memref<32768x16xf32, #tpu.memory_space<hbm>> -> memref<128x16xf32, #tpu.memory_space<hbm>>
        %dma_start3A_100 = arith.constant 0 : i32
        %dma_start3A_101 = tpu.memref_slice %arg7[%add3A_97, %dma_start3A_100] : memref<32768x16xf32, #tpu.memory_space<hbm>> -> memref<128x16xf32, #tpu.memory_space<hbm>>
        tpu.enqueue_dma source(%arg12 : memref<128x16xf32, #tpu.memory_space<vmem>>) target(%dma_start3A_101 : memref<128x16xf32, #tpu.memory_space<hbm>>) target_semaphore(%run_scoped3A : memref<!tpu.dma_semaphore, #tpu.memory_space<semaphore_mem>>)
        %dma_wait3A_102 = arith.constant 0 : i32
        %dma_wait3A_103 = tpu.memref_slice %arg7[%add3A_97, %dma_wait3A_102] : memref<32768x16xf32, #tpu.memory_space<hbm>> -> memref<128x16xf32, #tpu.memory_space<hbm>>
        %dma_wait3A_104 = arith.constant 0 : i32
        %dma_wait3A_105 = tpu.memref_slice %arg7[%add3A_97, %dma_wait3A_104] : memref<32768x16xf32, #tpu.memory_space<hbm>> -> memref<128x16xf32, #tpu.memory_space<hbm>>
        tpu.wait_dma2 semaphore(%run_scoped3A : memref<!tpu.dma_semaphore, #tpu.memory_space<semaphore_mem>>) src(%arg12 : memref<128x16xf32, #tpu.memory_space<vmem>>) dst(%dma_wait3A_105 : memref<128x16xf32, #tpu.memory_space<hbm>>)
        tpu.yield
      }) : () -> ()
      "tpu.region"() ({
        %run_scoped3A = tpu.sem_alloc : memref<!tpu.dma_semaphore, #tpu.memory_space<semaphore_mem>>
        %dma_start3A_98 = arith.constant 0 : i32
        %dma_start3A_99 = tpu.memref_slice %arg8[%add3A_97, %dma_start3A_98] : memref<32768x16xf32, #tpu.memory_space<hbm>> -> memref<128x16xf32, #tpu.memory_space<hbm>>
        %dma_start3A_100 = arith.constant 0 : i32
        %dma_start3A_101 = tpu.memref_slice %arg8[%add3A_97, %dma_start3A_100] : memref<32768x16xf32, #tpu.memory_space<hbm>> -> memref<128x16xf32, #tpu.memory_space<hbm>>
        tpu.enqueue_dma source(%arg13 : memref<128x16xf32, #tpu.memory_space<vmem>>) target(%dma_start3A_101 : memref<128x16xf32, #tpu.memory_space<hbm>>) target_semaphore(%run_scoped3A : memref<!tpu.dma_semaphore, #tpu.memory_space<semaphore_mem>>)
        %dma_wait3A_102 = arith.constant 0 : i32
        %dma_wait3A_103 = tpu.memref_slice %arg8[%add3A_97, %dma_wait3A_102] : memref<32768x16xf32, #tpu.memory_space<hbm>> -> memref<128x16xf32, #tpu.memory_space<hbm>>
        %dma_wait3A_104 = arith.constant 0 : i32
        %dma_wait3A_105 = tpu.memref_slice %arg8[%add3A_97, %dma_wait3A_104] : memref<32768x16xf32, #tpu.memory_space<hbm>> -> memref<128x16xf32, #tpu.memory_space<hbm>>
        tpu.wait_dma2 semaphore(%run_scoped3A : memref<!tpu.dma_semaphore, #tpu.memory_space<semaphore_mem>>) src(%arg13 : memref<128x16xf32, #tpu.memory_space<vmem>>) dst(%dma_wait3A_105 : memref<128x16xf32, #tpu.memory_space<hbm>>)
        tpu.yield
      }) : () -> ()
      "tpu.region"() ({
        %run_scoped3A = tpu.sem_alloc : memref<!tpu.dma_semaphore, #tpu.memory_space<semaphore_mem>>
        %dma_start3A_98 = arith.constant 0 : i32
        %dma_start3A_99 = tpu.memref_slice %arg9[%add3A_97, %dma_start3A_98] : memref<32768x16xf32, #tpu.memory_space<hbm>> -> memref<128x16xf32, #tpu.memory_space<hbm>>
        %dma_start3A_100 = arith.constant 0 : i32
        %dma_start3A_101 = tpu.memref_slice %arg9[%add3A_97, %dma_start3A_100] : memref<32768x16xf32, #tpu.memory_space<hbm>> -> memref<128x16xf32, #tpu.memory_space<hbm>>
        tpu.enqueue_dma source(%arg14 : memref<128x16xf32, #tpu.memory_space<vmem>>) target(%dma_start3A_101 : memref<128x16xf32, #tpu.memory_space<hbm>>) target_semaphore(%run_scoped3A : memref<!tpu.dma_semaphore, #tpu.memory_space<semaphore_mem>>)
        %dma_wait3A_102 = arith.constant 0 : i32
        %dma_wait3A_103 = tpu.memref_slice %arg9[%add3A_97, %dma_wait3A_102] : memref<32768x16xf32, #tpu.memory_space<hbm>> -> memref<128x16xf32, #tpu.memory_space<hbm>>
        %dma_wait3A_104 = arith.constant 0 : i32
        %dma_wait3A_105 = tpu.memref_slice %arg9[%add3A_97, %dma_wait3A_104] : memref<32768x16xf32, #tpu.memory_space<hbm>> -> memref<128x16xf32, #tpu.memory_space<hbm>>
        tpu.wait_dma2 semaphore(%run_scoped3A : memref<!tpu.dma_semaphore, #tpu.memory_space<semaphore_mem>>) src(%arg14 : memref<128x16xf32, #tpu.memory_space<vmem>>) dst(%dma_wait3A_105 : memref<128x16xf32, #tpu.memory_space<hbm>>)
        tpu.yield
      }) : () -> ()
      "tpu.region"() ({
        %run_scoped3A = tpu.sem_alloc : memref<!tpu.dma_semaphore, #tpu.memory_space<semaphore_mem>>
        %dma_start3A_98 = arith.constant 0 : i32
        %dma_start3A_99 = tpu.memref_slice %arg10[%add3A_97, %dma_start3A_98] : memref<32768x16xf32, #tpu.memory_space<hbm>> -> memref<128x16xf32, #tpu.memory_space<hbm>>
        %dma_start3A_100 = arith.constant 0 : i32
        %dma_start3A_101 = tpu.memref_slice %arg10[%add3A_97, %dma_start3A_100] : memref<32768x16xf32, #tpu.memory_space<hbm>> -> memref<128x16xf32, #tpu.memory_space<hbm>>
        tpu.enqueue_dma source(%arg15 : memref<128x16xf32, #tpu.memory_space<vmem>>) target(%dma_start3A_101 : memref<128x16xf32, #tpu.memory_space<hbm>>) target_semaphore(%run_scoped3A : memref<!tpu.dma_semaphore, #tpu.memory_space<semaphore_mem>>)
        %dma_wait3A_102 = arith.constant 0 : i32
        %dma_wait3A_103 = tpu.memref_slice %arg10[%add3A_97, %dma_wait3A_102] : memref<32768x16xf32, #tpu.memory_space<hbm>> -> memref<128x16xf32, #tpu.memory_space<hbm>>
        %dma_wait3A_104 = arith.constant 0 : i32
        %dma_wait3A_105 = tpu.memref_slice %arg10[%add3A_97, %dma_wait3A_104] : memref<32768x16xf32, #tpu.memory_space<hbm>> -> memref<128x16xf32, #tpu.memory_space<hbm>>
        tpu.wait_dma2 semaphore(%run_scoped3A : memref<!tpu.dma_semaphore, #tpu.memory_space<semaphore_mem>>) src(%arg15 : memref<128x16xf32, #tpu.memory_space<vmem>>) dst(%dma_wait3A_105 : memref<128x16xf32, #tpu.memory_space<hbm>>)
        tpu.yield
      }) : () -> ()
    }
    %scan3A_7 = arith.constant 8 : i32
    return
  }
}

#map = affine_map<(d0, d1) -> (0, 0)>
#map1 = affine_map<(d0, d1) -> (0, 0, 0)>
module attributes {stable_mosaic.version = 14 : i64} {
  func.func @gather_kernel(%arg0: i32, %arg1: i32, %arg2: memref<4160x16xf32, #tpu.memory_space<hbm>>, %arg3: memref<4160x16xf32, #tpu.memory_space<hbm>>, %arg4: memref<4160x16xf32, #tpu.memory_space<hbm>>, %arg5: memref<4160x16xf32, #tpu.memory_space<hbm>>, %arg6: memref<32x8x128xi32, #tpu.memory_space<hbm>>, %arg7: memref<32768x16xf32, #tpu.memory_space<hbm>>, %arg8: memref<32768x16xf32, #tpu.memory_space<hbm>>, %arg9: memref<32768x16xf32, #tpu.memory_space<hbm>>, %arg10: memref<32768x16xf32, #tpu.memory_space<hbm>>, %arg11: memref<8x128xi32, #tpu.memory_space<vmem>>, %arg12: memref<128x16xf32, #tpu.memory_space<vmem>>, %arg13: memref<128x16xf32, #tpu.memory_space<vmem>>, %arg14: memref<128x16xf32, #tpu.memory_space<vmem>>, %arg15: memref<128x16xf32, #tpu.memory_space<vmem>>, %arg16: memref<!tpu.dma_semaphore, #tpu.memory_space<semaphore_mem>>, %arg17: memref<!tpu.dma_semaphore, #tpu.memory_space<semaphore_mem>>, %arg18: memref<!tpu.dma_semaphore, #tpu.memory_space<semaphore_mem>>, %arg19: memref<!tpu.dma_semaphore, #tpu.memory_space<semaphore_mem>>) attributes {dimension_semantics = [#tpu.dimension_semantics<core_parallel>, #tpu.dimension_semantics<subcore_parallel>], iteration_bounds = array<i64: 2, 16>, scalar_prefetch = 0 : i64, scratch_operands = 9 : i64, tpu.core_type = #tpu.core_type<sc_vector_subcore>, window_params = [{transform_indices = #map}, {transform_indices = #map}, {transform_indices = #map}, {transform_indices = #map}, {transform_indices = #map1}, {transform_indices = #map}, {transform_indices = #map}, {transform_indices = #map}, {transform_indices = #map}]} {
    %mul3A = arith.constant 2 : i32
    %mul3A_0 = arith.muli %arg1, %mul3A : i32
    %add3A = arith.addi %mul3A_0, %arg0 : i32
    %mul3A_1 = arith.constant 1024 : i32
    %mul3A_2 = arith.muli %add3A, %mul3A_1 : i32
    "tpu.region"() ({
      %run_scoped3A = tpu.sem_alloc : memref<!tpu.dma_semaphore, #tpu.memory_space<semaphore_mem>>
      %dma_start3A = arith.constant 0 : i32
      %dma_start3A_8 = arith.constant 0 : i32
      %dma_start3A_9 = tpu.memref_slice %arg6[%add3A, %dma_start3A, %dma_start3A_8] : memref<32x8x128xi32, #tpu.memory_space<hbm>> -> memref<1x8x128xi32, #tpu.memory_space<hbm>>
      %dma_start3A_10 = tpu.memref_squeeze %dma_start3A_9 : memref<1x8x128xi32, #tpu.memory_space<hbm>> -> memref<8x128xi32, #tpu.memory_space<hbm>>
      %dma_start3A_11 = arith.constant 0 : i32
      %dma_start3A_12 = arith.constant 0 : i32
      %dma_start3A_13 = tpu.memref_slice %arg6[%add3A, %dma_start3A_11, %dma_start3A_12] : memref<32x8x128xi32, #tpu.memory_space<hbm>> -> memref<1x8x128xi32, #tpu.memory_space<hbm>>
      %dma_start3A_14 = tpu.memref_squeeze %dma_start3A_13 : memref<1x8x128xi32, #tpu.memory_space<hbm>> -> memref<8x128xi32, #tpu.memory_space<hbm>>
      tpu.enqueue_dma source(%dma_start3A_14 : memref<8x128xi32, #tpu.memory_space<hbm>>) target(%arg11 : memref<8x128xi32, #tpu.memory_space<vmem>>) target_semaphore(%run_scoped3A : memref<!tpu.dma_semaphore, #tpu.memory_space<semaphore_mem>>)
      %dma_wait3A = arith.constant 0 : i32
      %dma_wait3A_15 = arith.constant 0 : i32
      %dma_wait3A_16 = tpu.memref_slice %arg6[%add3A, %dma_wait3A, %dma_wait3A_15] : memref<32x8x128xi32, #tpu.memory_space<hbm>> -> memref<1x8x128xi32, #tpu.memory_space<hbm>>
      %dma_wait3A_17 = tpu.memref_squeeze %dma_wait3A_16 : memref<1x8x128xi32, #tpu.memory_space<hbm>> -> memref<8x128xi32, #tpu.memory_space<hbm>>
      %dma_wait3A_18 = arith.constant 0 : i32
      %dma_wait3A_19 = arith.constant 0 : i32
      %dma_wait3A_20 = tpu.memref_slice %arg6[%add3A, %dma_wait3A_18, %dma_wait3A_19] : memref<32x8x128xi32, #tpu.memory_space<hbm>> -> memref<1x8x128xi32, #tpu.memory_space<hbm>>
      %dma_wait3A_21 = tpu.memref_squeeze %dma_wait3A_20 : memref<1x8x128xi32, #tpu.memory_space<hbm>> -> memref<8x128xi32, #tpu.memory_space<hbm>>
      tpu.wait_dma2 semaphore(%run_scoped3A : memref<!tpu.dma_semaphore, #tpu.memory_space<semaphore_mem>>) src(%dma_wait3A_21 : memref<8x128xi32, #tpu.memory_space<hbm>>) dst(%arg11 : memref<8x128xi32, #tpu.memory_space<vmem>>)
      tpu.yield
    }) : () -> ()
    %scan3A = arith.constant 0 : i32
    %scan3A_3 = arith.constant 0 : i32
    %scan3A_4 = arith.constant 8 : i32
    %scan3A_5 = arith.addi %scan3A_3, %scan3A_4 : i32
    %scan3A_6 = arith.constant 1 : i32
    scf.for %scan3A_8 = %scan3A_3 to %scan3A_5 step %scan3A_6  : i32 {
      %mul3A_9 = arith.constant 1 : i32
      %mul3A_10 = arith.muli %scan3A_8, %mul3A_9 : i32
      %add3A_11 = arith.constant 0 : i32
      %add3A_12 = arith.addi %mul3A_10, %add3A_11 : i32
      %dma_start3A = arith.constant 0 : i32
      %dma_start3A_13 = arith.constant 0 : i32
      %dma_start3A_14 = tpu.memref_slice %arg12[%dma_start3A, %dma_start3A_13] : memref<128x16xf32, #tpu.memory_space<vmem>> -> memref<128x16xf32, #tpu.memory_space<vmem>>
      %dma_start3A_15 = arith.constant 0 : i32
      %dma_start3A_16 = tpu.memref_slice %arg11[%add3A_12, %dma_start3A_15] : memref<8x128xi32, #tpu.memory_space<vmem>> -> memref<1x128xi32, #tpu.memory_space<vmem>>
      %dma_start3A_17 = tpu.memref_squeeze %dma_start3A_16 : memref<1x128xi32, #tpu.memory_space<vmem>> -> memref<128xi32, #tpu.memory_space<vmem>>
      %dma_start3A_18 = arith.constant 0 : i32
      %dma_start3A_19 = arith.constant 0 : i32
      %dma_start3A_20 = tpu.memref_slice %arg2[%dma_start3A_18, %dma_start3A_19] : memref<4160x16xf32, #tpu.memory_space<hbm>> -> memref<4160x16xf32, #tpu.memory_space<hbm>>
      tpu.enqueue_indirect_dma source(%dma_start3A_20 : memref<4160x16xf32, #tpu.memory_space<hbm>>) target(%dma_start3A_14 : memref<128x16xf32, #tpu.memory_space<vmem>>) offsets(%dma_start3A_17 : memref<128xi32, #tpu.memory_space<vmem>>) semaphore(%arg16 : memref<!tpu.dma_semaphore, #tpu.memory_space<semaphore_mem>>)
      %mul3A_21 = arith.constant 1 : i32
      %mul3A_22 = arith.muli %scan3A_8, %mul3A_21 : i32
      %add3A_23 = arith.constant 0 : i32
      %add3A_24 = arith.addi %mul3A_22, %add3A_23 : i32
      %dma_start3A_25 = arith.constant 0 : i32
      %dma_start3A_26 = arith.constant 0 : i32
      %dma_start3A_27 = tpu.memref_slice %arg13[%dma_start3A_25, %dma_start3A_26] : memref<128x16xf32, #tpu.memory_space<vmem>> -> memref<128x16xf32, #tpu.memory_space<vmem>>
      %dma_start3A_28 = arith.constant 0 : i32
      %dma_start3A_29 = tpu.memref_slice %arg11[%add3A_24, %dma_start3A_28] : memref<8x128xi32, #tpu.memory_space<vmem>> -> memref<1x128xi32, #tpu.memory_space<vmem>>
      %dma_start3A_30 = tpu.memref_squeeze %dma_start3A_29 : memref<1x128xi32, #tpu.memory_space<vmem>> -> memref<128xi32, #tpu.memory_space<vmem>>
      %dma_start3A_31 = arith.constant 0 : i32
      %dma_start3A_32 = arith.constant 0 : i32
      %dma_start3A_33 = tpu.memref_slice %arg3[%dma_start3A_31, %dma_start3A_32] : memref<4160x16xf32, #tpu.memory_space<hbm>> -> memref<4160x16xf32, #tpu.memory_space<hbm>>
      tpu.enqueue_indirect_dma source(%dma_start3A_33 : memref<4160x16xf32, #tpu.memory_space<hbm>>) target(%dma_start3A_27 : memref<128x16xf32, #tpu.memory_space<vmem>>) offsets(%dma_start3A_30 : memref<128xi32, #tpu.memory_space<vmem>>) semaphore(%arg17 : memref<!tpu.dma_semaphore, #tpu.memory_space<semaphore_mem>>)
      %mul3A_34 = arith.constant 1 : i32
      %mul3A_35 = arith.muli %scan3A_8, %mul3A_34 : i32
      %add3A_36 = arith.constant 0 : i32
      %add3A_37 = arith.addi %mul3A_35, %add3A_36 : i32
      %dma_start3A_38 = arith.constant 0 : i32
      %dma_start3A_39 = arith.constant 0 : i32
      %dma_start3A_40 = tpu.memref_slice %arg14[%dma_start3A_38, %dma_start3A_39] : memref<128x16xf32, #tpu.memory_space<vmem>> -> memref<128x16xf32, #tpu.memory_space<vmem>>
      %dma_start3A_41 = arith.constant 0 : i32
      %dma_start3A_42 = tpu.memref_slice %arg11[%add3A_37, %dma_start3A_41] : memref<8x128xi32, #tpu.memory_space<vmem>> -> memref<1x128xi32, #tpu.memory_space<vmem>>
      %dma_start3A_43 = tpu.memref_squeeze %dma_start3A_42 : memref<1x128xi32, #tpu.memory_space<vmem>> -> memref<128xi32, #tpu.memory_space<vmem>>
      %dma_start3A_44 = arith.constant 0 : i32
      %dma_start3A_45 = arith.constant 0 : i32
      %dma_start3A_46 = tpu.memref_slice %arg4[%dma_start3A_44, %dma_start3A_45] : memref<4160x16xf32, #tpu.memory_space<hbm>> -> memref<4160x16xf32, #tpu.memory_space<hbm>>
      tpu.enqueue_indirect_dma source(%dma_start3A_46 : memref<4160x16xf32, #tpu.memory_space<hbm>>) target(%dma_start3A_40 : memref<128x16xf32, #tpu.memory_space<vmem>>) offsets(%dma_start3A_43 : memref<128xi32, #tpu.memory_space<vmem>>) semaphore(%arg18 : memref<!tpu.dma_semaphore, #tpu.memory_space<semaphore_mem>>)
      %mul3A_47 = arith.constant 1 : i32
      %mul3A_48 = arith.muli %scan3A_8, %mul3A_47 : i32
      %add3A_49 = arith.constant 0 : i32
      %add3A_50 = arith.addi %mul3A_48, %add3A_49 : i32
      %dma_start3A_51 = arith.constant 0 : i32
      %dma_start3A_52 = arith.constant 0 : i32
      %dma_start3A_53 = tpu.memref_slice %arg15[%dma_start3A_51, %dma_start3A_52] : memref<128x16xf32, #tpu.memory_space<vmem>> -> memref<128x16xf32, #tpu.memory_space<vmem>>
      %dma_start3A_54 = arith.constant 0 : i32
      %dma_start3A_55 = tpu.memref_slice %arg11[%add3A_50, %dma_start3A_54] : memref<8x128xi32, #tpu.memory_space<vmem>> -> memref<1x128xi32, #tpu.memory_space<vmem>>
      %dma_start3A_56 = tpu.memref_squeeze %dma_start3A_55 : memref<1x128xi32, #tpu.memory_space<vmem>> -> memref<128xi32, #tpu.memory_space<vmem>>
      %dma_start3A_57 = arith.constant 0 : i32
      %dma_start3A_58 = arith.constant 0 : i32
      %dma_start3A_59 = tpu.memref_slice %arg5[%dma_start3A_57, %dma_start3A_58] : memref<4160x16xf32, #tpu.memory_space<hbm>> -> memref<4160x16xf32, #tpu.memory_space<hbm>>
      tpu.enqueue_indirect_dma source(%dma_start3A_59 : memref<4160x16xf32, #tpu.memory_space<hbm>>) target(%dma_start3A_53 : memref<128x16xf32, #tpu.memory_space<vmem>>) offsets(%dma_start3A_56 : memref<128xi32, #tpu.memory_space<vmem>>) semaphore(%arg19 : memref<!tpu.dma_semaphore, #tpu.memory_space<semaphore_mem>>)
      %dma_wait3A = arith.constant 0 : i32
      %dma_wait3A_60 = arith.constant 0 : i32
      %dma_wait3A_61 = tpu.memref_slice %arg12[%dma_wait3A, %dma_wait3A_60] : memref<128x16xf32, #tpu.memory_space<vmem>> -> memref<128x16xf32, #tpu.memory_space<vmem>>
      %dma_wait3A_62 = arith.constant 0 : i32
      %dma_wait3A_63 = tpu.memref_slice %arg11[%add3A_12, %dma_wait3A_62] : memref<8x128xi32, #tpu.memory_space<vmem>> -> memref<1x128xi32, #tpu.memory_space<vmem>>
      %dma_wait3A_64 = tpu.memref_squeeze %dma_wait3A_63 : memref<1x128xi32, #tpu.memory_space<vmem>> -> memref<128xi32, #tpu.memory_space<vmem>>
      %dma_wait3A_65 = arith.constant 0 : i32
      %dma_wait3A_66 = arith.constant 0 : i32
      %dma_wait3A_67 = tpu.memref_slice %arg2[%dma_wait3A_65, %dma_wait3A_66] : memref<4160x16xf32, #tpu.memory_space<hbm>> -> memref<4160x16xf32, #tpu.memory_space<hbm>>
      tpu.wait_indirect_dma semaphore(%arg16 : memref<!tpu.dma_semaphore, #tpu.memory_space<semaphore_mem>>) src(%dma_wait3A_67 : memref<4160x16xf32, #tpu.memory_space<hbm>>) dst(%dma_wait3A_61 : memref<128x16xf32, #tpu.memory_space<vmem>>)
      %dma_wait3A_68 = arith.constant 0 : i32
      %dma_wait3A_69 = arith.constant 0 : i32
      %dma_wait3A_70 = tpu.memref_slice %arg13[%dma_wait3A_68, %dma_wait3A_69] : memref<128x16xf32, #tpu.memory_space<vmem>> -> memref<128x16xf32, #tpu.memory_space<vmem>>
      %dma_wait3A_71 = arith.constant 0 : i32
      %dma_wait3A_72 = tpu.memref_slice %arg11[%add3A_24, %dma_wait3A_71] : memref<8x128xi32, #tpu.memory_space<vmem>> -> memref<1x128xi32, #tpu.memory_space<vmem>>
      %dma_wait3A_73 = tpu.memref_squeeze %dma_wait3A_72 : memref<1x128xi32, #tpu.memory_space<vmem>> -> memref<128xi32, #tpu.memory_space<vmem>>
      %dma_wait3A_74 = arith.constant 0 : i32
      %dma_wait3A_75 = arith.constant 0 : i32
      %dma_wait3A_76 = tpu.memref_slice %arg3[%dma_wait3A_74, %dma_wait3A_75] : memref<4160x16xf32, #tpu.memory_space<hbm>> -> memref<4160x16xf32, #tpu.memory_space<hbm>>
      tpu.wait_indirect_dma semaphore(%arg17 : memref<!tpu.dma_semaphore, #tpu.memory_space<semaphore_mem>>) src(%dma_wait3A_76 : memref<4160x16xf32, #tpu.memory_space<hbm>>) dst(%dma_wait3A_70 : memref<128x16xf32, #tpu.memory_space<vmem>>)
      %dma_wait3A_77 = arith.constant 0 : i32
      %dma_wait3A_78 = arith.constant 0 : i32
      %dma_wait3A_79 = tpu.memref_slice %arg14[%dma_wait3A_77, %dma_wait3A_78] : memref<128x16xf32, #tpu.memory_space<vmem>> -> memref<128x16xf32, #tpu.memory_space<vmem>>
      %dma_wait3A_80 = arith.constant 0 : i32
      %dma_wait3A_81 = tpu.memref_slice %arg11[%add3A_37, %dma_wait3A_80] : memref<8x128xi32, #tpu.memory_space<vmem>> -> memref<1x128xi32, #tpu.memory_space<vmem>>
      %dma_wait3A_82 = tpu.memref_squeeze %dma_wait3A_81 : memref<1x128xi32, #tpu.memory_space<vmem>> -> memref<128xi32, #tpu.memory_space<vmem>>
      %dma_wait3A_83 = arith.constant 0 : i32
      %dma_wait3A_84 = arith.constant 0 : i32
      %dma_wait3A_85 = tpu.memref_slice %arg4[%dma_wait3A_83, %dma_wait3A_84] : memref<4160x16xf32, #tpu.memory_space<hbm>> -> memref<4160x16xf32, #tpu.memory_space<hbm>>
      tpu.wait_indirect_dma semaphore(%arg18 : memref<!tpu.dma_semaphore, #tpu.memory_space<semaphore_mem>>) src(%dma_wait3A_85 : memref<4160x16xf32, #tpu.memory_space<hbm>>) dst(%dma_wait3A_79 : memref<128x16xf32, #tpu.memory_space<vmem>>)
      %dma_wait3A_86 = arith.constant 0 : i32
      %dma_wait3A_87 = arith.constant 0 : i32
      %dma_wait3A_88 = tpu.memref_slice %arg15[%dma_wait3A_86, %dma_wait3A_87] : memref<128x16xf32, #tpu.memory_space<vmem>> -> memref<128x16xf32, #tpu.memory_space<vmem>>
      %dma_wait3A_89 = arith.constant 0 : i32
      %dma_wait3A_90 = tpu.memref_slice %arg11[%add3A_50, %dma_wait3A_89] : memref<8x128xi32, #tpu.memory_space<vmem>> -> memref<1x128xi32, #tpu.memory_space<vmem>>
      %dma_wait3A_91 = tpu.memref_squeeze %dma_wait3A_90 : memref<1x128xi32, #tpu.memory_space<vmem>> -> memref<128xi32, #tpu.memory_space<vmem>>
      %dma_wait3A_92 = arith.constant 0 : i32
      %dma_wait3A_93 = arith.constant 0 : i32
      %dma_wait3A_94 = tpu.memref_slice %arg5[%dma_wait3A_92, %dma_wait3A_93] : memref<4160x16xf32, #tpu.memory_space<hbm>> -> memref<4160x16xf32, #tpu.memory_space<hbm>>
      tpu.wait_indirect_dma semaphore(%arg19 : memref<!tpu.dma_semaphore, #tpu.memory_space<semaphore_mem>>) src(%dma_wait3A_94 : memref<4160x16xf32, #tpu.memory_space<hbm>>) dst(%dma_wait3A_88 : memref<128x16xf32, #tpu.memory_space<vmem>>)
      %mul3A_95 = arith.constant 128 : i32
      %mul3A_96 = arith.muli %scan3A_8, %mul3A_95 : i32
      %add3A_97 = arith.addi %mul3A_2, %mul3A_96 : i32
      "tpu.region"() ({
        %run_scoped3A = tpu.sem_alloc : memref<!tpu.dma_semaphore, #tpu.memory_space<semaphore_mem>>
        %dma_start3A_98 = arith.constant 0 : i32
        %dma_start3A_99 = tpu.memref_slice %arg7[%add3A_97, %dma_start3A_98] : memref<32768x16xf32, #tpu.memory_space<hbm>> -> memref<128x16xf32, #tpu.memory_space<hbm>>
        %dma_start3A_100 = arith.constant 0 : i32
        %dma_start3A_101 = tpu.memref_slice %arg7[%add3A_97, %dma_start3A_100] : memref<32768x16xf32, #tpu.memory_space<hbm>> -> memref<128x16xf32, #tpu.memory_space<hbm>>
        tpu.enqueue_dma source(%arg12 : memref<128x16xf32, #tpu.memory_space<vmem>>) target(%dma_start3A_101 : memref<128x16xf32, #tpu.memory_space<hbm>>) target_semaphore(%run_scoped3A : memref<!tpu.dma_semaphore, #tpu.memory_space<semaphore_mem>>)
        %dma_wait3A_102 = arith.constant 0 : i32
        %dma_wait3A_103 = tpu.memref_slice %arg7[%add3A_97, %dma_wait3A_102] : memref<32768x16xf32, #tpu.memory_space<hbm>> -> memref<128x16xf32, #tpu.memory_space<hbm>>
        %dma_wait3A_104 = arith.constant 0 : i32
        %dma_wait3A_105 = tpu.memref_slice %arg7[%add3A_97, %dma_wait3A_104] : memref<32768x16xf32, #tpu.memory_space<hbm>> -> memref<128x16xf32, #tpu.memory_space<hbm>>
        tpu.wait_dma2 semaphore(%run_scoped3A : memref<!tpu.dma_semaphore, #tpu.memory_space<semaphore_mem>>) src(%arg12 : memref<128x16xf32, #tpu.memory_space<vmem>>) dst(%dma_wait3A_105 : memref<128x16xf32, #tpu.memory_space<hbm>>)
        tpu.yield
      }) : () -> ()
      "tpu.region"() ({
        %run_scoped3A = tpu.sem_alloc : memref<!tpu.dma_semaphore, #tpu.memory_space<semaphore_mem>>
        %dma_start3A_98 = arith.constant 0 : i32
        %dma_start3A_99 = tpu.memref_slice %arg8[%add3A_97, %dma_start3A_98] : memref<32768x16xf32, #tpu.memory_space<hbm>> -> memref<128x16xf32, #tpu.memory_space<hbm>>
        %dma_start3A_100 = arith.constant 0 : i32
        %dma_start3A_101 = tpu.memref_slice %arg8[%add3A_97, %dma_start3A_100] : memref<32768x16xf32, #tpu.memory_space<hbm>> -> memref<128x16xf32, #tpu.memory_space<hbm>>
        tpu.enqueue_dma source(%arg13 : memref<128x16xf32, #tpu.memory_space<vmem>>) target(%dma_start3A_101 : memref<128x16xf32, #tpu.memory_space<hbm>>) target_semaphore(%run_scoped3A : memref<!tpu.dma_semaphore, #tpu.memory_space<semaphore_mem>>)
        %dma_wait3A_102 = arith.constant 0 : i32
        %dma_wait3A_103 = tpu.memref_slice %arg8[%add3A_97, %dma_wait3A_102] : memref<32768x16xf32, #tpu.memory_space<hbm>> -> memref<128x16xf32, #tpu.memory_space<hbm>>
        %dma_wait3A_104 = arith.constant 0 : i32
        %dma_wait3A_105 = tpu.memref_slice %arg8[%add3A_97, %dma_wait3A_104] : memref<32768x16xf32, #tpu.memory_space<hbm>> -> memref<128x16xf32, #tpu.memory_space<hbm>>
        tpu.wait_dma2 semaphore(%run_scoped3A : memref<!tpu.dma_semaphore, #tpu.memory_space<semaphore_mem>>) src(%arg13 : memref<128x16xf32, #tpu.memory_space<vmem>>) dst(%dma_wait3A_105 : memref<128x16xf32, #tpu.memory_space<hbm>>)
        tpu.yield
      }) : () -> ()
      "tpu.region"() ({
        %run_scoped3A = tpu.sem_alloc : memref<!tpu.dma_semaphore, #tpu.memory_space<semaphore_mem>>
        %dma_start3A_98 = arith.constant 0 : i32
        %dma_start3A_99 = tpu.memref_slice %arg9[%add3A_97, %dma_start3A_98] : memref<32768x16xf32, #tpu.memory_space<hbm>> -> memref<128x16xf32, #tpu.memory_space<hbm>>
        %dma_start3A_100 = arith.constant 0 : i32
        %dma_start3A_101 = tpu.memref_slice %arg9[%add3A_97, %dma_start3A_100] : memref<32768x16xf32, #tpu.memory_space<hbm>> -> memref<128x16xf32, #tpu.memory_space<hbm>>
        tpu.enqueue_dma source(%arg14 : memref<128x16xf32, #tpu.memory_space<vmem>>) target(%dma_start3A_101 : memref<128x16xf32, #tpu.memory_space<hbm>>) target_semaphore(%run_scoped3A : memref<!tpu.dma_semaphore, #tpu.memory_space<semaphore_mem>>)
        %dma_wait3A_102 = arith.constant 0 : i32
        %dma_wait3A_103 = tpu.memref_slice %arg9[%add3A_97, %dma_wait3A_102] : memref<32768x16xf32, #tpu.memory_space<hbm>> -> memref<128x16xf32, #tpu.memory_space<hbm>>
        %dma_wait3A_104 = arith.constant 0 : i32
        %dma_wait3A_105 = tpu.memref_slice %arg9[%add3A_97, %dma_wait3A_104] : memref<32768x16xf32, #tpu.memory_space<hbm>> -> memref<128x16xf32, #tpu.memory_space<hbm>>
        tpu.wait_dma2 semaphore(%run_scoped3A : memref<!tpu.dma_semaphore, #tpu.memory_space<semaphore_mem>>) src(%arg14 : memref<128x16xf32, #tpu.memory_space<vmem>>) dst(%dma_wait3A_105 : memref<128x16xf32, #tpu.memory_space<hbm>>)
        tpu.yield
      }) : () -> ()
      "tpu.region"() ({
        %run_scoped3A = tpu.sem_alloc : memref<!tpu.dma_semaphore, #tpu.memory_space<semaphore_mem>>
        %dma_start3A_98 = arith.constant 0 : i32
        %dma_start3A_99 = tpu.memref_slice %arg10[%add3A_97, %dma_start3A_98] : memref<32768x16xf32, #tpu.memory_space<hbm>> -> memref<128x16xf32, #tpu.memory_space<hbm>>
        %dma_start3A_100 = arith.constant 0 : i32
        %dma_start3A_101 = tpu.memref_slice %arg10[%add3A_97, %dma_start3A_100] : memref<32768x16xf32, #tpu.memory_space<hbm>> -> memref<128x16xf32, #tpu.memory_space<hbm>>
        tpu.enqueue_dma source(%arg15 : memref<128x16xf32, #tpu.memory_space<vmem>>) target(%dma_start3A_101 : memref<128x16xf32, #tpu.memory_space<hbm>>) target_semaphore(%run_scoped3A : memref<!tpu.dma_semaphore, #tpu.memory_space<semaphore_mem>>)
        %dma_wait3A_102 = arith.constant 0 : i32
        %dma_wait3A_103 = tpu.memref_slice %arg10[%add3A_97, %dma_wait3A_102] : memref<32768x16xf32, #tpu.memory_space<hbm>> -> memref<128x16xf32, #tpu.memory_space<hbm>>
        %dma_wait3A_104 = arith.constant 0 : i32
        %dma_wait3A_105 = tpu.memref_slice %arg10[%add3A_97, %dma_wait3A_104] : memref<32768x16xf32, #tpu.memory_space<hbm>> -> memref<128x16xf32, #tpu.memory_space<hbm>>
        tpu.wait_dma2 semaphore(%run_scoped3A : memref<!tpu.dma_semaphore, #tpu.memory_space<semaphore_mem>>) src(%arg15 : memref<128x16xf32, #tpu.memory_space<vmem>>) dst(%dma_wait3A_105 : memref<128x16xf32, #tpu.memory_space<hbm>>)
        tpu.yield
      }) : () -> ()
    }
    %scan3A_7 = arith.constant 8 : i32
    return
  }
}

#map = affine_map<(d0, d1) -> (0, 0)>
#map1 = affine_map<(d0, d1) -> (0, 0, 0)>
module attributes {stable_mosaic.version = 14 : i64} {
  func.func @gather_kernel(%arg0: i32, %arg1: i32, %arg2: memref<4160x16xf32, #tpu.memory_space<hbm>>, %arg3: memref<4160x16xf32, #tpu.memory_space<hbm>>, %arg4: memref<4160x16xf32, #tpu.memory_space<hbm>>, %arg5: memref<4160x16xf32, #tpu.memory_space<hbm>>, %arg6: memref<32x8x128xi32, #tpu.memory_space<hbm>>, %arg7: memref<32768x16xf32, #tpu.memory_space<hbm>>, %arg8: memref<32768x16xf32, #tpu.memory_space<hbm>>, %arg9: memref<32768x16xf32, #tpu.memory_space<hbm>>, %arg10: memref<32768x16xf32, #tpu.memory_space<hbm>>, %arg11: memref<8x128xi32, #tpu.memory_space<vmem>>, %arg12: memref<128x16xf32, #tpu.memory_space<vmem>>, %arg13: memref<128x16xf32, #tpu.memory_space<vmem>>, %arg14: memref<128x16xf32, #tpu.memory_space<vmem>>, %arg15: memref<128x16xf32, #tpu.memory_space<vmem>>, %arg16: memref<!tpu.dma_semaphore, #tpu.memory_space<semaphore_mem>>, %arg17: memref<!tpu.dma_semaphore, #tpu.memory_space<semaphore_mem>>, %arg18: memref<!tpu.dma_semaphore, #tpu.memory_space<semaphore_mem>>, %arg19: memref<!tpu.dma_semaphore, #tpu.memory_space<semaphore_mem>>) attributes {dimension_semantics = [#tpu.dimension_semantics<core_parallel>, #tpu.dimension_semantics<subcore_parallel>], iteration_bounds = array<i64: 2, 16>, scalar_prefetch = 0 : i64, scratch_operands = 9 : i64, tpu.core_type = #tpu.core_type<sc_vector_subcore>, window_params = [{transform_indices = #map}, {transform_indices = #map}, {transform_indices = #map}, {transform_indices = #map}, {transform_indices = #map1}, {transform_indices = #map}, {transform_indices = #map}, {transform_indices = #map}, {transform_indices = #map}]} {
    %mul3A = arith.constant 2 : i32
    %mul3A_0 = arith.muli %arg1, %mul3A : i32
    %add3A = arith.addi %mul3A_0, %arg0 : i32
    %mul3A_1 = arith.constant 1024 : i32
    %mul3A_2 = arith.muli %add3A, %mul3A_1 : i32
    "tpu.region"() ({
      %run_scoped3A = tpu.sem_alloc : memref<!tpu.dma_semaphore, #tpu.memory_space<semaphore_mem>>
      %dma_start3A = arith.constant 0 : i32
      %dma_start3A_8 = arith.constant 0 : i32
      %dma_start3A_9 = tpu.memref_slice %arg6[%add3A, %dma_start3A, %dma_start3A_8] : memref<32x8x128xi32, #tpu.memory_space<hbm>> -> memref<1x8x128xi32, #tpu.memory_space<hbm>>
      %dma_start3A_10 = tpu.memref_squeeze %dma_start3A_9 : memref<1x8x128xi32, #tpu.memory_space<hbm>> -> memref<8x128xi32, #tpu.memory_space<hbm>>
      %dma_start3A_11 = arith.constant 0 : i32
      %dma_start3A_12 = arith.constant 0 : i32
      %dma_start3A_13 = tpu.memref_slice %arg6[%add3A, %dma_start3A_11, %dma_start3A_12] : memref<32x8x128xi32, #tpu.memory_space<hbm>> -> memref<1x8x128xi32, #tpu.memory_space<hbm>>
      %dma_start3A_14 = tpu.memref_squeeze %dma_start3A_13 : memref<1x8x128xi32, #tpu.memory_space<hbm>> -> memref<8x128xi32, #tpu.memory_space<hbm>>
      tpu.enqueue_dma source(%dma_start3A_14 : memref<8x128xi32, #tpu.memory_space<hbm>>) target(%arg11 : memref<8x128xi32, #tpu.memory_space<vmem>>) target_semaphore(%run_scoped3A : memref<!tpu.dma_semaphore, #tpu.memory_space<semaphore_mem>>)
      %dma_wait3A = arith.constant 0 : i32
      %dma_wait3A_15 = arith.constant 0 : i32
      %dma_wait3A_16 = tpu.memref_slice %arg6[%add3A, %dma_wait3A, %dma_wait3A_15] : memref<32x8x128xi32, #tpu.memory_space<hbm>> -> memref<1x8x128xi32, #tpu.memory_space<hbm>>
      %dma_wait3A_17 = tpu.memref_squeeze %dma_wait3A_16 : memref<1x8x128xi32, #tpu.memory_space<hbm>> -> memref<8x128xi32, #tpu.memory_space<hbm>>
      %dma_wait3A_18 = arith.constant 0 : i32
      %dma_wait3A_19 = arith.constant 0 : i32
      %dma_wait3A_20 = tpu.memref_slice %arg6[%add3A, %dma_wait3A_18, %dma_wait3A_19] : memref<32x8x128xi32, #tpu.memory_space<hbm>> -> memref<1x8x128xi32, #tpu.memory_space<hbm>>
      %dma_wait3A_21 = tpu.memref_squeeze %dma_wait3A_20 : memref<1x8x128xi32, #tpu.memory_space<hbm>> -> memref<8x128xi32, #tpu.memory_space<hbm>>
      tpu.wait_dma2 semaphore(%run_scoped3A : memref<!tpu.dma_semaphore, #tpu.memory_space<semaphore_mem>>) src(%dma_wait3A_21 : memref<8x128xi32, #tpu.memory_space<hbm>>) dst(%arg11 : memref<8x128xi32, #tpu.memory_space<vmem>>)
      tpu.yield
    }) : () -> ()
    %scan3A = arith.constant 0 : i32
    %scan3A_3 = arith.constant 0 : i32
    %scan3A_4 = arith.constant 8 : i32
    %scan3A_5 = arith.addi %scan3A_3, %scan3A_4 : i32
    %scan3A_6 = arith.constant 1 : i32
    scf.for %scan3A_8 = %scan3A_3 to %scan3A_5 step %scan3A_6  : i32 {
      %mul3A_9 = arith.constant 1 : i32
      %mul3A_10 = arith.muli %scan3A_8, %mul3A_9 : i32
      %add3A_11 = arith.constant 0 : i32
      %add3A_12 = arith.addi %mul3A_10, %add3A_11 : i32
      %dma_start3A = arith.constant 0 : i32
      %dma_start3A_13 = arith.constant 0 : i32
      %dma_start3A_14 = tpu.memref_slice %arg12[%dma_start3A, %dma_start3A_13] : memref<128x16xf32, #tpu.memory_space<vmem>> -> memref<128x16xf32, #tpu.memory_space<vmem>>
      %dma_start3A_15 = arith.constant 0 : i32
      %dma_start3A_16 = tpu.memref_slice %arg11[%add3A_12, %dma_start3A_15] : memref<8x128xi32, #tpu.memory_space<vmem>> -> memref<1x128xi32, #tpu.memory_space<vmem>>
      %dma_start3A_17 = tpu.memref_squeeze %dma_start3A_16 : memref<1x128xi32, #tpu.memory_space<vmem>> -> memref<128xi32, #tpu.memory_space<vmem>>
      %dma_start3A_18 = arith.constant 0 : i32
      %dma_start3A_19 = arith.constant 0 : i32
      %dma_start3A_20 = tpu.memref_slice %arg2[%dma_start3A_18, %dma_start3A_19] : memref<4160x16xf32, #tpu.memory_space<hbm>> -> memref<4160x16xf32, #tpu.memory_space<hbm>>
      tpu.enqueue_indirect_dma source(%dma_start3A_20 : memref<4160x16xf32, #tpu.memory_space<hbm>>) target(%dma_start3A_14 : memref<128x16xf32, #tpu.memory_space<vmem>>) offsets(%dma_start3A_17 : memref<128xi32, #tpu.memory_space<vmem>>) semaphore(%arg16 : memref<!tpu.dma_semaphore, #tpu.memory_space<semaphore_mem>>)
      %mul3A_21 = arith.constant 1 : i32
      %mul3A_22 = arith.muli %scan3A_8, %mul3A_21 : i32
      %add3A_23 = arith.constant 0 : i32
      %add3A_24 = arith.addi %mul3A_22, %add3A_23 : i32
      %dma_start3A_25 = arith.constant 0 : i32
      %dma_start3A_26 = arith.constant 0 : i32
      %dma_start3A_27 = tpu.memref_slice %arg13[%dma_start3A_25, %dma_start3A_26] : memref<128x16xf32, #tpu.memory_space<vmem>> -> memref<128x16xf32, #tpu.memory_space<vmem>>
      %dma_start3A_28 = arith.constant 0 : i32
      %dma_start3A_29 = tpu.memref_slice %arg11[%add3A_24, %dma_start3A_28] : memref<8x128xi32, #tpu.memory_space<vmem>> -> memref<1x128xi32, #tpu.memory_space<vmem>>
      %dma_start3A_30 = tpu.memref_squeeze %dma_start3A_29 : memref<1x128xi32, #tpu.memory_space<vmem>> -> memref<128xi32, #tpu.memory_space<vmem>>
      %dma_start3A_31 = arith.constant 0 : i32
      %dma_start3A_32 = arith.constant 0 : i32
      %dma_start3A_33 = tpu.memref_slice %arg3[%dma_start3A_31, %dma_start3A_32] : memref<4160x16xf32, #tpu.memory_space<hbm>> -> memref<4160x16xf32, #tpu.memory_space<hbm>>
      tpu.enqueue_indirect_dma source(%dma_start3A_33 : memref<4160x16xf32, #tpu.memory_space<hbm>>) target(%dma_start3A_27 : memref<128x16xf32, #tpu.memory_space<vmem>>) offsets(%dma_start3A_30 : memref<128xi32, #tpu.memory_space<vmem>>) semaphore(%arg17 : memref<!tpu.dma_semaphore, #tpu.memory_space<semaphore_mem>>)
      %mul3A_34 = arith.constant 1 : i32
      %mul3A_35 = arith.muli %scan3A_8, %mul3A_34 : i32
      %add3A_36 = arith.constant 0 : i32
      %add3A_37 = arith.addi %mul3A_35, %add3A_36 : i32
      %dma_start3A_38 = arith.constant 0 : i32
      %dma_start3A_39 = arith.constant 0 : i32
      %dma_start3A_40 = tpu.memref_slice %arg14[%dma_start3A_38, %dma_start3A_39] : memref<128x16xf32, #tpu.memory_space<vmem>> -> memref<128x16xf32, #tpu.memory_space<vmem>>
      %dma_start3A_41 = arith.constant 0 : i32
      %dma_start3A_42 = tpu.memref_slice %arg11[%add3A_37, %dma_start3A_41] : memref<8x128xi32, #tpu.memory_space<vmem>> -> memref<1x128xi32, #tpu.memory_space<vmem>>
      %dma_start3A_43 = tpu.memref_squeeze %dma_start3A_42 : memref<1x128xi32, #tpu.memory_space<vmem>> -> memref<128xi32, #tpu.memory_space<vmem>>
      %dma_start3A_44 = arith.constant 0 : i32
      %dma_start3A_45 = arith.constant 0 : i32
      %dma_start3A_46 = tpu.memref_slice %arg4[%dma_start3A_44, %dma_start3A_45] : memref<4160x16xf32, #tpu.memory_space<hbm>> -> memref<4160x16xf32, #tpu.memory_space<hbm>>
      tpu.enqueue_indirect_dma source(%dma_start3A_46 : memref<4160x16xf32, #tpu.memory_space<hbm>>) target(%dma_start3A_40 : memref<128x16xf32, #tpu.memory_space<vmem>>) offsets(%dma_start3A_43 : memref<128xi32, #tpu.memory_space<vmem>>) semaphore(%arg18 : memref<!tpu.dma_semaphore, #tpu.memory_space<semaphore_mem>>)
      %mul3A_47 = arith.constant 1 : i32
      %mul3A_48 = arith.muli %scan3A_8, %mul3A_47 : i32
      %add3A_49 = arith.constant 0 : i32
      %add3A_50 = arith.addi %mul3A_48, %add3A_49 : i32
      %dma_start3A_51 = arith.constant 0 : i32
      %dma_start3A_52 = arith.constant 0 : i32
      %dma_start3A_53 = tpu.memref_slice %arg15[%dma_start3A_51, %dma_start3A_52] : memref<128x16xf32, #tpu.memory_space<vmem>> -> memref<128x16xf32, #tpu.memory_space<vmem>>
      %dma_start3A_54 = arith.constant 0 : i32
      %dma_start3A_55 = tpu.memref_slice %arg11[%add3A_50, %dma_start3A_54] : memref<8x128xi32, #tpu.memory_space<vmem>> -> memref<1x128xi32, #tpu.memory_space<vmem>>
      %dma_start3A_56 = tpu.memref_squeeze %dma_start3A_55 : memref<1x128xi32, #tpu.memory_space<vmem>> -> memref<128xi32, #tpu.memory_space<vmem>>
      %dma_start3A_57 = arith.constant 0 : i32
      %dma_start3A_58 = arith.constant 0 : i32
      %dma_start3A_59 = tpu.memref_slice %arg5[%dma_start3A_57, %dma_start3A_58] : memref<4160x16xf32, #tpu.memory_space<hbm>> -> memref<4160x16xf32, #tpu.memory_space<hbm>>
      tpu.enqueue_indirect_dma source(%dma_start3A_59 : memref<4160x16xf32, #tpu.memory_space<hbm>>) target(%dma_start3A_53 : memref<128x16xf32, #tpu.memory_space<vmem>>) offsets(%dma_start3A_56 : memref<128xi32, #tpu.memory_space<vmem>>) semaphore(%arg19 : memref<!tpu.dma_semaphore, #tpu.memory_space<semaphore_mem>>)
      %dma_wait3A = arith.constant 0 : i32
      %dma_wait3A_60 = arith.constant 0 : i32
      %dma_wait3A_61 = tpu.memref_slice %arg12[%dma_wait3A, %dma_wait3A_60] : memref<128x16xf32, #tpu.memory_space<vmem>> -> memref<128x16xf32, #tpu.memory_space<vmem>>
      %dma_wait3A_62 = arith.constant 0 : i32
      %dma_wait3A_63 = tpu.memref_slice %arg11[%add3A_12, %dma_wait3A_62] : memref<8x128xi32, #tpu.memory_space<vmem>> -> memref<1x128xi32, #tpu.memory_space<vmem>>
      %dma_wait3A_64 = tpu.memref_squeeze %dma_wait3A_63 : memref<1x128xi32, #tpu.memory_space<vmem>> -> memref<128xi32, #tpu.memory_space<vmem>>
      %dma_wait3A_65 = arith.constant 0 : i32
      %dma_wait3A_66 = arith.constant 0 : i32
      %dma_wait3A_67 = tpu.memref_slice %arg2[%dma_wait3A_65, %dma_wait3A_66] : memref<4160x16xf32, #tpu.memory_space<hbm>> -> memref<4160x16xf32, #tpu.memory_space<hbm>>
      tpu.wait_indirect_dma semaphore(%arg16 : memref<!tpu.dma_semaphore, #tpu.memory_space<semaphore_mem>>) src(%dma_wait3A_67 : memref<4160x16xf32, #tpu.memory_space<hbm>>) dst(%dma_wait3A_61 : memref<128x16xf32, #tpu.memory_space<vmem>>)
      %dma_wait3A_68 = arith.constant 0 : i32
      %dma_wait3A_69 = arith.constant 0 : i32
      %dma_wait3A_70 = tpu.memref_slice %arg13[%dma_wait3A_68, %dma_wait3A_69] : memref<128x16xf32, #tpu.memory_space<vmem>> -> memref<128x16xf32, #tpu.memory_space<vmem>>
      %dma_wait3A_71 = arith.constant 0 : i32
      %dma_wait3A_72 = tpu.memref_slice %arg11[%add3A_24, %dma_wait3A_71] : memref<8x128xi32, #tpu.memory_space<vmem>> -> memref<1x128xi32, #tpu.memory_space<vmem>>
      %dma_wait3A_73 = tpu.memref_squeeze %dma_wait3A_72 : memref<1x128xi32, #tpu.memory_space<vmem>> -> memref<128xi32, #tpu.memory_space<vmem>>
      %dma_wait3A_74 = arith.constant 0 : i32
      %dma_wait3A_75 = arith.constant 0 : i32
      %dma_wait3A_76 = tpu.memref_slice %arg3[%dma_wait3A_74, %dma_wait3A_75] : memref<4160x16xf32, #tpu.memory_space<hbm>> -> memref<4160x16xf32, #tpu.memory_space<hbm>>
      tpu.wait_indirect_dma semaphore(%arg17 : memref<!tpu.dma_semaphore, #tpu.memory_space<semaphore_mem>>) src(%dma_wait3A_76 : memref<4160x16xf32, #tpu.memory_space<hbm>>) dst(%dma_wait3A_70 : memref<128x16xf32, #tpu.memory_space<vmem>>)
      %dma_wait3A_77 = arith.constant 0 : i32
      %dma_wait3A_78 = arith.constant 0 : i32
      %dma_wait3A_79 = tpu.memref_slice %arg14[%dma_wait3A_77, %dma_wait3A_78] : memref<128x16xf32, #tpu.memory_space<vmem>> -> memref<128x16xf32, #tpu.memory_space<vmem>>
      %dma_wait3A_80 = arith.constant 0 : i32
      %dma_wait3A_81 = tpu.memref_slice %arg11[%add3A_37, %dma_wait3A_80] : memref<8x128xi32, #tpu.memory_space<vmem>> -> memref<1x128xi32, #tpu.memory_space<vmem>>
      %dma_wait3A_82 = tpu.memref_squeeze %dma_wait3A_81 : memref<1x128xi32, #tpu.memory_space<vmem>> -> memref<128xi32, #tpu.memory_space<vmem>>
      %dma_wait3A_83 = arith.constant 0 : i32
      %dma_wait3A_84 = arith.constant 0 : i32
      %dma_wait3A_85 = tpu.memref_slice %arg4[%dma_wait3A_83, %dma_wait3A_84] : memref<4160x16xf32, #tpu.memory_space<hbm>> -> memref<4160x16xf32, #tpu.memory_space<hbm>>
      tpu.wait_indirect_dma semaphore(%arg18 : memref<!tpu.dma_semaphore, #tpu.memory_space<semaphore_mem>>) src(%dma_wait3A_85 : memref<4160x16xf32, #tpu.memory_space<hbm>>) dst(%dma_wait3A_79 : memref<128x16xf32, #tpu.memory_space<vmem>>)
      %dma_wait3A_86 = arith.constant 0 : i32
      %dma_wait3A_87 = arith.constant 0 : i32
      %dma_wait3A_88 = tpu.memref_slice %arg15[%dma_wait3A_86, %dma_wait3A_87] : memref<128x16xf32, #tpu.memory_space<vmem>> -> memref<128x16xf32, #tpu.memory_space<vmem>>
      %dma_wait3A_89 = arith.constant 0 : i32
      %dma_wait3A_90 = tpu.memref_slice %arg11[%add3A_50, %dma_wait3A_89] : memref<8x128xi32, #tpu.memory_space<vmem>> -> memref<1x128xi32, #tpu.memory_space<vmem>>
      %dma_wait3A_91 = tpu.memref_squeeze %dma_wait3A_90 : memref<1x128xi32, #tpu.memory_space<vmem>> -> memref<128xi32, #tpu.memory_space<vmem>>
      %dma_wait3A_92 = arith.constant 0 : i32
      %dma_wait3A_93 = arith.constant 0 : i32
      %dma_wait3A_94 = tpu.memref_slice %arg5[%dma_wait3A_92, %dma_wait3A_93] : memref<4160x16xf32, #tpu.memory_space<hbm>> -> memref<4160x16xf32, #tpu.memory_space<hbm>>
      tpu.wait_indirect_dma semaphore(%arg19 : memref<!tpu.dma_semaphore, #tpu.memory_space<semaphore_mem>>) src(%dma_wait3A_94 : memref<4160x16xf32, #tpu.memory_space<hbm>>) dst(%dma_wait3A_88 : memref<128x16xf32, #tpu.memory_space<vmem>>)
      %mul3A_95 = arith.constant 128 : i32
      %mul3A_96 = arith.muli %scan3A_8, %mul3A_95 : i32
      %add3A_97 = arith.addi %mul3A_2, %mul3A_96 : i32
      "tpu.region"() ({
        %run_scoped3A = tpu.sem_alloc : memref<!tpu.dma_semaphore, #tpu.memory_space<semaphore_mem>>
        %dma_start3A_98 = arith.constant 0 : i32
        %dma_start3A_99 = tpu.memref_slice %arg7[%add3A_97, %dma_start3A_98] : memref<32768x16xf32, #tpu.memory_space<hbm>> -> memref<128x16xf32, #tpu.memory_space<hbm>>
        %dma_start3A_100 = arith.constant 0 : i32
        %dma_start3A_101 = tpu.memref_slice %arg7[%add3A_97, %dma_start3A_100] : memref<32768x16xf32, #tpu.memory_space<hbm>> -> memref<128x16xf32, #tpu.memory_space<hbm>>
        tpu.enqueue_dma source(%arg12 : memref<128x16xf32, #tpu.memory_space<vmem>>) target(%dma_start3A_101 : memref<128x16xf32, #tpu.memory_space<hbm>>) target_semaphore(%run_scoped3A : memref<!tpu.dma_semaphore, #tpu.memory_space<semaphore_mem>>)
        %dma_wait3A_102 = arith.constant 0 : i32
        %dma_wait3A_103 = tpu.memref_slice %arg7[%add3A_97, %dma_wait3A_102] : memref<32768x16xf32, #tpu.memory_space<hbm>> -> memref<128x16xf32, #tpu.memory_space<hbm>>
        %dma_wait3A_104 = arith.constant 0 : i32
        %dma_wait3A_105 = tpu.memref_slice %arg7[%add3A_97, %dma_wait3A_104] : memref<32768x16xf32, #tpu.memory_space<hbm>> -> memref<128x16xf32, #tpu.memory_space<hbm>>
        tpu.wait_dma2 semaphore(%run_scoped3A : memref<!tpu.dma_semaphore, #tpu.memory_space<semaphore_mem>>) src(%arg12 : memref<128x16xf32, #tpu.memory_space<vmem>>) dst(%dma_wait3A_105 : memref<128x16xf32, #tpu.memory_space<hbm>>)
        tpu.yield
      }) : () -> ()
      "tpu.region"() ({
        %run_scoped3A = tpu.sem_alloc : memref<!tpu.dma_semaphore, #tpu.memory_space<semaphore_mem>>
        %dma_start3A_98 = arith.constant 0 : i32
        %dma_start3A_99 = tpu.memref_slice %arg8[%add3A_97, %dma_start3A_98] : memref<32768x16xf32, #tpu.memory_space<hbm>> -> memref<128x16xf32, #tpu.memory_space<hbm>>
        %dma_start3A_100 = arith.constant 0 : i32
        %dma_start3A_101 = tpu.memref_slice %arg8[%add3A_97, %dma_start3A_100] : memref<32768x16xf32, #tpu.memory_space<hbm>> -> memref<128x16xf32, #tpu.memory_space<hbm>>
        tpu.enqueue_dma source(%arg13 : memref<128x16xf32, #tpu.memory_space<vmem>>) target(%dma_start3A_101 : memref<128x16xf32, #tpu.memory_space<hbm>>) target_semaphore(%run_scoped3A : memref<!tpu.dma_semaphore, #tpu.memory_space<semaphore_mem>>)
        %dma_wait3A_102 = arith.constant 0 : i32
        %dma_wait3A_103 = tpu.memref_slice %arg8[%add3A_97, %dma_wait3A_102] : memref<32768x16xf32, #tpu.memory_space<hbm>> -> memref<128x16xf32, #tpu.memory_space<hbm>>
        %dma_wait3A_104 = arith.constant 0 : i32
        %dma_wait3A_105 = tpu.memref_slice %arg8[%add3A_97, %dma_wait3A_104] : memref<32768x16xf32, #tpu.memory_space<hbm>> -> memref<128x16xf32, #tpu.memory_space<hbm>>
        tpu.wait_dma2 semaphore(%run_scoped3A : memref<!tpu.dma_semaphore, #tpu.memory_space<semaphore_mem>>) src(%arg13 : memref<128x16xf32, #tpu.memory_space<vmem>>) dst(%dma_wait3A_105 : memref<128x16xf32, #tpu.memory_space<hbm>>)
        tpu.yield
      }) : () -> ()
      "tpu.region"() ({
        %run_scoped3A = tpu.sem_alloc : memref<!tpu.dma_semaphore, #tpu.memory_space<semaphore_mem>>
        %dma_start3A_98 = arith.constant 0 : i32
        %dma_start3A_99 = tpu.memref_slice %arg9[%add3A_97, %dma_start3A_98] : memref<32768x16xf32, #tpu.memory_space<hbm>> -> memref<128x16xf32, #tpu.memory_space<hbm>>
        %dma_start3A_100 = arith.constant 0 : i32
        %dma_start3A_101 = tpu.memref_slice %arg9[%add3A_97, %dma_start3A_100] : memref<32768x16xf32, #tpu.memory_space<hbm>> -> memref<128x16xf32, #tpu.memory_space<hbm>>
        tpu.enqueue_dma source(%arg14 : memref<128x16xf32, #tpu.memory_space<vmem>>) target(%dma_start3A_101 : memref<128x16xf32, #tpu.memory_space<hbm>>) target_semaphore(%run_scoped3A : memref<!tpu.dma_semaphore, #tpu.memory_space<semaphore_mem>>)
        %dma_wait3A_102 = arith.constant 0 : i32
        %dma_wait3A_103 = tpu.memref_slice %arg9[%add3A_97, %dma_wait3A_102] : memref<32768x16xf32, #tpu.memory_space<hbm>> -> memref<128x16xf32, #tpu.memory_space<hbm>>
        %dma_wait3A_104 = arith.constant 0 : i32
        %dma_wait3A_105 = tpu.memref_slice %arg9[%add3A_97, %dma_wait3A_104] : memref<32768x16xf32, #tpu.memory_space<hbm>> -> memref<128x16xf32, #tpu.memory_space<hbm>>
        tpu.wait_dma2 semaphore(%run_scoped3A : memref<!tpu.dma_semaphore, #tpu.memory_space<semaphore_mem>>) src(%arg14 : memref<128x16xf32, #tpu.memory_space<vmem>>) dst(%dma_wait3A_105 : memref<128x16xf32, #tpu.memory_space<hbm>>)
        tpu.yield
      }) : () -> ()
      "tpu.region"() ({
        %run_scoped3A = tpu.sem_alloc : memref<!tpu.dma_semaphore, #tpu.memory_space<semaphore_mem>>
        %dma_start3A_98 = arith.constant 0 : i32
        %dma_start3A_99 = tpu.memref_slice %arg10[%add3A_97, %dma_start3A_98] : memref<32768x16xf32, #tpu.memory_space<hbm>> -> memref<128x16xf32, #tpu.memory_space<hbm>>
        %dma_start3A_100 = arith.constant 0 : i32
        %dma_start3A_101 = tpu.memref_slice %arg10[%add3A_97, %dma_start3A_100] : memref<32768x16xf32, #tpu.memory_space<hbm>> -> memref<128x16xf32, #tpu.memory_space<hbm>>
        tpu.enqueue_dma source(%arg15 : memref<128x16xf32, #tpu.memory_space<vmem>>) target(%dma_start3A_101 : memref<128x16xf32, #tpu.memory_space<hbm>>) target_semaphore(%run_scoped3A : memref<!tpu.dma_semaphore, #tpu.memory_space<semaphore_mem>>)
        %dma_wait3A_102 = arith.constant 0 : i32
        %dma_wait3A_103 = tpu.memref_slice %arg10[%add3A_97, %dma_wait3A_102] : memref<32768x16xf32, #tpu.memory_space<hbm>> -> memref<128x16xf32, #tpu.memory_space<hbm>>
        %dma_wait3A_104 = arith.constant 0 : i32
        %dma_wait3A_105 = tpu.memref_slice %arg10[%add3A_97, %dma_wait3A_104] : memref<32768x16xf32, #tpu.memory_space<hbm>> -> memref<128x16xf32, #tpu.memory_space<hbm>>
        tpu.wait_dma2 semaphore(%run_scoped3A : memref<!tpu.dma_semaphore, #tpu.memory_space<semaphore_mem>>) src(%arg15 : memref<128x16xf32, #tpu.memory_space<vmem>>) dst(%dma_wait3A_105 : memref<128x16xf32, #tpu.memory_space<hbm>>)
        tpu.yield
      }) : () -> ()
    }
    %scan3A_7 = arith.constant 8 : i32
    return
  }
}

module attributes {stable_mosaic.version = 14 : i64} {
  func.func @_tc_body(%arg0: i32, %arg1: memref<512x128xf32, #tpu.memory_space<vmem>>, %arg2: memref<512x128xf32, #tpu.memory_space<vmem>>, %arg3: memref<512x128xf32, #tpu.memory_space<vmem>>, %arg4: memref<512x128xf32, #tpu.memory_space<vmem>>, %arg5: memref<512x64xf32, #tpu.memory_space<vmem>>, %arg6: memref<512x1xf32, #tpu.memory_space<vmem>>) attributes {dimension_semantics = [#tpu.dimension_semantics<arbitrary>], iteration_bounds = array<i64: 8>, scalar_prefetch = 0 : i64, scratch_operands = 0 : i64, tpu.core_type = #tpu.core_type<tc>, window_params = [{transform_indices = @transform_0, window_bounds = array<i64: 512, 128>}, {transform_indices = @transform_1, window_bounds = array<i64: 512, 128>}, {transform_indices = @transform_2, window_bounds = array<i64: 512, 128>}, {transform_indices = @transform_3, window_bounds = array<i64: 512, 128>}, {transform_indices = @transform_4, window_bounds = array<i64: 512, 64>}, {transform_indices = @transform_5, window_bounds = array<i64: 512, 1>}]} {
    %get3A = arith.constant 0 : index
    %get3A_0 = arith.constant 0 : index
    %get3A_1 = vector.load %arg1[%get3A, %get3A_0] : memref<512x128xf32, #tpu.memory_space<vmem>>, vector<512x128xf32>
    %get3A_2 = arith.constant 0 : index
    %get3A_3 = arith.constant 0 : index
    %get3A_4 = vector.load %arg2[%get3A_2, %get3A_3] : memref<512x128xf32, #tpu.memory_space<vmem>>, vector<512x128xf32>
    %get3A_5 = arith.constant 0 : index
    %get3A_6 = arith.constant 0 : index
    %get3A_7 = vector.load %arg3[%get3A_5, %get3A_6] : memref<512x128xf32, #tpu.memory_space<vmem>>, vector<512x128xf32>
    %get3A_8 = arith.constant 0 : index
    %get3A_9 = arith.constant 0 : index
    %get3A_10 = vector.load %arg4[%get3A_8, %get3A_9] : memref<512x128xf32, #tpu.memory_space<vmem>>, vector<512x128xf32>
    %get3A_11 = arith.constant 0 : index
    %get3A_12 = arith.constant 0 : index
    %get3A_13 = vector.load %arg5[%get3A_11, %get3A_12] : memref<512x64xf32, #tpu.memory_space<vmem>>, vector<512x64xf32>
    %broadcast_in_dim3A = arith.constant 0.000000e+00 : f32
    %broadcast_in_dim3A_14 = vector.broadcast %broadcast_in_dim3A : f32 to vector<512x128xf32>
    %slice3A = vector.extract_strided_slice %get3A_13 {offsets = [0, 4], sizes = [512, 1], strides = [1, 1]} : vector<512x64xf32> to vector<512x1xf32>
    %slice3A_15 = vector.extract_strided_slice %get3A_13 {offsets = [0, 20], sizes = [512, 1], strides = [1, 1]} : vector<512x64xf32> to vector<512x1xf32>
    %slice3A_16 = vector.extract_strided_slice %get3A_13 {offsets = [0, 36], sizes = [512, 1], strides = [1, 1]} : vector<512x64xf32> to vector<512x1xf32>
    %slice3A_17 = vector.extract_strided_slice %get3A_13 {offsets = [0, 52], sizes = [512, 1], strides = [1, 1]} : vector<512x64xf32> to vector<512x1xf32>
    %sub3A = vector.broadcast %slice3A : vector<512x1xf32> to vector<512x128xf32>
    %sub3A_18 = arith.subf %sub3A, %get3A_1 : vector<512x128xf32>
    %integer_pow3A = arith.mulf %sub3A_18, %sub3A_18 : vector<512x128xf32>
    %sub3A_19 = vector.broadcast %slice3A_15 : vector<512x1xf32> to vector<512x128xf32>
    %sub3A_20 = arith.subf %sub3A_19, %get3A_4 : vector<512x128xf32>
    %integer_pow3A_21 = arith.mulf %sub3A_20, %sub3A_20 : vector<512x128xf32>
    %sub3A_22 = vector.broadcast %slice3A_16 : vector<512x1xf32> to vector<512x128xf32>
    %sub3A_23 = arith.subf %sub3A_22, %get3A_7 : vector<512x128xf32>
    %integer_pow3A_24 = arith.mulf %sub3A_23, %sub3A_23 : vector<512x128xf32>
    %add3A = arith.constant 2.500000e-04 : f32
    %add3A_25 = vector.broadcast %add3A : f32 to vector<512x128xf32>
    %add3A_26 = arith.addf %integer_pow3A_24, %add3A_25 : vector<512x128xf32>
    %add3A_27 = arith.addf %integer_pow3A_21, %add3A_26 : vector<512x128xf32>
    %add3A_28 = arith.addf %integer_pow3A, %add3A_27 : vector<512x128xf32>
    %add3A_29 = vector.broadcast %slice3A_17 : vector<512x1xf32> to vector<512x128xf32>
    %add3A_30 = arith.addf %add3A_29, %get3A_10 : vector<512x128xf32>
    %sqrt3A = math.sqrt %add3A_28 : vector<512x128xf32>
    %sub3A_31 = arith.subf %add3A_30, %sqrt3A : vector<512x128xf32>
    %tanh3A = math.tanh %sub3A_31 : vector<512x128xf32>
    %add3A_32 = arith.addf %broadcast_in_dim3A_14, %tanh3A : vector<512x128xf32>
    %slice3A_33 = vector.extract_strided_slice %get3A_13 {offsets = [0, 5], sizes = [512, 1], strides = [1, 1]} : vector<512x64xf32> to vector<512x1xf32>
    %slice3A_34 = vector.extract_strided_slice %get3A_13 {offsets = [0, 21], sizes = [512, 1], strides = [1, 1]} : vector<512x64xf32> to vector<512x1xf32>
    %slice3A_35 = vector.extract_strided_slice %get3A_13 {offsets = [0, 37], sizes = [512, 1], strides = [1, 1]} : vector<512x64xf32> to vector<512x1xf32>
    %slice3A_36 = vector.extract_strided_slice %get3A_13 {offsets = [0, 53], sizes = [512, 1], strides = [1, 1]} : vector<512x64xf32> to vector<512x1xf32>
    %sub3A_37 = vector.broadcast %slice3A_33 : vector<512x1xf32> to vector<512x128xf32>
    %sub3A_38 = arith.subf %sub3A_37, %get3A_1 : vector<512x128xf32>
    %integer_pow3A_39 = arith.mulf %sub3A_38, %sub3A_38 : vector<512x128xf32>
    %sub3A_40 = vector.broadcast %slice3A_34 : vector<512x1xf32> to vector<512x128xf32>
    %sub3A_41 = arith.subf %sub3A_40, %get3A_4 : vector<512x128xf32>
    %integer_pow3A_42 = arith.mulf %sub3A_41, %sub3A_41 : vector<512x128xf32>
    %sub3A_43 = vector.broadcast %slice3A_35 : vector<512x1xf32> to vector<512x128xf32>
    %sub3A_44 = arith.subf %sub3A_43, %get3A_7 : vector<512x128xf32>
    %integer_pow3A_45 = arith.mulf %sub3A_44, %sub3A_44 : vector<512x128xf32>
    %add3A_46 = arith.constant 2.500000e-04 : f32
    %add3A_47 = vector.broadcast %add3A_46 : f32 to vector<512x128xf32>
    %add3A_48 = arith.addf %integer_pow3A_45, %add3A_47 : vector<512x128xf32>
    %add3A_49 = arith.addf %integer_pow3A_42, %add3A_48 : vector<512x128xf32>
    %add3A_50 = arith.addf %integer_pow3A_39, %add3A_49 : vector<512x128xf32>
    %add3A_51 = vector.broadcast %slice3A_36 : vector<512x1xf32> to vector<512x128xf32>
    %add3A_52 = arith.addf %add3A_51, %get3A_10 : vector<512x128xf32>
    %sqrt3A_53 = math.sqrt %add3A_50 : vector<512x128xf32>
    %sub3A_54 = arith.subf %add3A_52, %sqrt3A_53 : vector<512x128xf32>
    %tanh3A_55 = math.tanh %sub3A_54 : vector<512x128xf32>
    %add3A_56 = arith.addf %add3A_32, %tanh3A_55 : vector<512x128xf32>
    %slice3A_57 = vector.extract_strided_slice %get3A_13 {offsets = [0, 6], sizes = [512, 1], strides = [1, 1]} : vector<512x64xf32> to vector<512x1xf32>
    %slice3A_58 = vector.extract_strided_slice %get3A_13 {offsets = [0, 22], sizes = [512, 1], strides = [1, 1]} : vector<512x64xf32> to vector<512x1xf32>
    %slice3A_59 = vector.extract_strided_slice %get3A_13 {offsets = [0, 38], sizes = [512, 1], strides = [1, 1]} : vector<512x64xf32> to vector<512x1xf32>
    %slice3A_60 = vector.extract_strided_slice %get3A_13 {offsets = [0, 54], sizes = [512, 1], strides = [1, 1]} : vector<512x64xf32> to vector<512x1xf32>
    %sub3A_61 = vector.broadcast %slice3A_57 : vector<512x1xf32> to vector<512x128xf32>
    %sub3A_62 = arith.subf %sub3A_61, %get3A_1 : vector<512x128xf32>
    %integer_pow3A_63 = arith.mulf %sub3A_62, %sub3A_62 : vector<512x128xf32>
    %sub3A_64 = vector.broadcast %slice3A_58 : vector<512x1xf32> to vector<512x128xf32>
    %sub3A_65 = arith.subf %sub3A_64, %get3A_4 : vector<512x128xf32>
    %integer_pow3A_66 = arith.mulf %sub3A_65, %sub3A_65 : vector<512x128xf32>
    %sub3A_67 = vector.broadcast %slice3A_59 : vector<512x1xf32> to vector<512x128xf32>
    %sub3A_68 = arith.subf %sub3A_67, %get3A_7 : vector<512x128xf32>
    %integer_pow3A_69 = arith.mulf %sub3A_68, %sub3A_68 : vector<512x128xf32>
    %add3A_70 = arith.constant 2.500000e-04 : f32
    %add3A_71 = vector.broadcast %add3A_70 : f32 to vector<512x128xf32>
    %add3A_72 = arith.addf %integer_pow3A_69, %add3A_71 : vector<512x128xf32>
    %add3A_73 = arith.addf %integer_pow3A_66, %add3A_72 : vector<512x128xf32>
    %add3A_74 = arith.addf %integer_pow3A_63, %add3A_73 : vector<512x128xf32>
    %add3A_75 = vector.broadcast %slice3A_60 : vector<512x1xf32> to vector<512x128xf32>
    %add3A_76 = arith.addf %add3A_75, %get3A_10 : vector<512x128xf32>
    %sqrt3A_77 = math.sqrt %add3A_74 : vector<512x128xf32>
    %sub3A_78 = arith.subf %add3A_76, %sqrt3A_77 : vector<512x128xf32>
    %tanh3A_79 = math.tanh %sub3A_78 : vector<512x128xf32>
    %add3A_80 = arith.addf %add3A_56, %tanh3A_79 : vector<512x128xf32>
    %slice3A_81 = vector.extract_strided_slice %get3A_13 {offsets = [0, 7], sizes = [512, 1], strides = [1, 1]} : vector<512x64xf32> to vector<512x1xf32>
    %slice3A_82 = vector.extract_strided_slice %get3A_13 {offsets = [0, 23], sizes = [512, 1], strides = [1, 1]} : vector<512x64xf32> to vector<512x1xf32>
    %slice3A_83 = vector.extract_strided_slice %get3A_13 {offsets = [0, 39], sizes = [512, 1], strides = [1, 1]} : vector<512x64xf32> to vector<512x1xf32>
    %slice3A_84 = vector.extract_strided_slice %get3A_13 {offsets = [0, 55], sizes = [512, 1], strides = [1, 1]} : vector<512x64xf32> to vector<512x1xf32>
    %sub3A_85 = vector.broadcast %slice3A_81 : vector<512x1xf32> to vector<512x128xf32>
    %sub3A_86 = arith.subf %sub3A_85, %get3A_1 : vector<512x128xf32>
    %integer_pow3A_87 = arith.mulf %sub3A_86, %sub3A_86 : vector<512x128xf32>
    %sub3A_88 = vector.broadcast %slice3A_82 : vector<512x1xf32> to vector<512x128xf32>
    %sub3A_89 = arith.subf %sub3A_88, %get3A_4 : vector<512x128xf32>
    %integer_pow3A_90 = arith.mulf %sub3A_89, %sub3A_89 : vector<512x128xf32>
    %sub3A_91 = vector.broadcast %slice3A_83 : vector<512x1xf32> to vector<512x128xf32>
    %sub3A_92 = arith.subf %sub3A_91, %get3A_7 : vector<512x128xf32>
    %integer_pow3A_93 = arith.mulf %sub3A_92, %sub3A_92 : vector<512x128xf32>
    %add3A_94 = arith.constant 2.500000e-04 : f32
    %add3A_95 = vector.broadcast %add3A_94 : f32 to vector<512x128xf32>
    %add3A_96 = arith.addf %integer_pow3A_93, %add3A_95 : vector<512x128xf32>
    %add3A_97 = arith.addf %integer_pow3A_90, %add3A_96 : vector<512x128xf32>
    %add3A_98 = arith.addf %integer_pow3A_87, %add3A_97 : vector<512x128xf32>
    %add3A_99 = vector.broadcast %slice3A_84 : vector<512x1xf32> to vector<512x128xf32>
    %add3A_100 = arith.addf %add3A_99, %get3A_10 : vector<512x128xf32>
    %sqrt3A_101 = math.sqrt %add3A_98 : vector<512x128xf32>
    %sub3A_102 = arith.subf %add3A_100, %sqrt3A_101 : vector<512x128xf32>
    %tanh3A_103 = math.tanh %sub3A_102 : vector<512x128xf32>
    %add3A_104 = arith.addf %add3A_80, %tanh3A_103 : vector<512x128xf32>
    %slice3A_105 = vector.extract_strided_slice %get3A_13 {offsets = [0, 8], sizes = [512, 1], strides = [1, 1]} : vector<512x64xf32> to vector<512x1xf32>
    %slice3A_106 = vector.extract_strided_slice %get3A_13 {offsets = [0, 24], sizes = [512, 1], strides = [1, 1]} : vector<512x64xf32> to vector<512x1xf32>
    %slice3A_107 = vector.extract_strided_slice %get3A_13 {offsets = [0, 40], sizes = [512, 1], strides = [1, 1]} : vector<512x64xf32> to vector<512x1xf32>
    %slice3A_108 = vector.extract_strided_slice %get3A_13 {offsets = [0, 56], sizes = [512, 1], strides = [1, 1]} : vector<512x64xf32> to vector<512x1xf32>
    %sub3A_109 = vector.broadcast %slice3A_105 : vector<512x1xf32> to vector<512x128xf32>
    %sub3A_110 = arith.subf %sub3A_109, %get3A_1 : vector<512x128xf32>
    %integer_pow3A_111 = arith.mulf %sub3A_110, %sub3A_110 : vector<512x128xf32>
    %sub3A_112 = vector.broadcast %slice3A_106 : vector<512x1xf32> to vector<512x128xf32>
    %sub3A_113 = arith.subf %sub3A_112, %get3A_4 : vector<512x128xf32>
    %integer_pow3A_114 = arith.mulf %sub3A_113, %sub3A_113 : vector<512x128xf32>
    %sub3A_115 = vector.broadcast %slice3A_107 : vector<512x1xf32> to vector<512x128xf32>
    %sub3A_116 = arith.subf %sub3A_115, %get3A_7 : vector<512x128xf32>
    %integer_pow3A_117 = arith.mulf %sub3A_116, %sub3A_116 : vector<512x128xf32>
    %add3A_118 = arith.constant 2.500000e-04 : f32
    %add3A_119 = vector.broadcast %add3A_118 : f32 to vector<512x128xf32>
    %add3A_120 = arith.addf %integer_pow3A_117, %add3A_119 : vector<512x128xf32>
    %add3A_121 = arith.addf %integer_pow3A_114, %add3A_120 : vector<512x128xf32>
    %add3A_122 = arith.addf %integer_pow3A_111, %add3A_121 : vector<512x128xf32>
    %add3A_123 = vector.broadcast %slice3A_108 : vector<512x1xf32> to vector<512x128xf32>
    %add3A_124 = arith.addf %add3A_123, %get3A_10 : vector<512x128xf32>
    %sqrt3A_125 = math.sqrt %add3A_122 : vector<512x128xf32>
    %sub3A_126 = arith.subf %add3A_124, %sqrt3A_125 : vector<512x128xf32>
    %tanh3A_127 = math.tanh %sub3A_126 : vector<512x128xf32>
    %add3A_128 = arith.addf %add3A_104, %tanh3A_127 : vector<512x128xf32>
    %slice3A_129 = vector.extract_strided_slice %get3A_13 {offsets = [0, 9], sizes = [512, 1], strides = [1, 1]} : vector<512x64xf32> to vector<512x1xf32>
    %slice3A_130 = vector.extract_strided_slice %get3A_13 {offsets = [0, 25], sizes = [512, 1], strides = [1, 1]} : vector<512x64xf32> to vector<512x1xf32>
    %slice3A_131 = vector.extract_strided_slice %get3A_13 {offsets = [0, 41], sizes = [512, 1], strides = [1, 1]} : vector<512x64xf32> to vector<512x1xf32>
    %slice3A_132 = vector.extract_strided_slice %get3A_13 {offsets = [0, 57], sizes = [512, 1], strides = [1, 1]} : vector<512x64xf32> to vector<512x1xf32>
    %sub3A_133 = vector.broadcast %slice3A_129 : vector<512x1xf32> to vector<512x128xf32>
    %sub3A_134 = arith.subf %sub3A_133, %get3A_1 : vector<512x128xf32>
    %integer_pow3A_135 = arith.mulf %sub3A_134, %sub3A_134 : vector<512x128xf32>
    %sub3A_136 = vector.broadcast %slice3A_130 : vector<512x1xf32> to vector<512x128xf32>
    %sub3A_137 = arith.subf %sub3A_136, %get3A_4 : vector<512x128xf32>
    %integer_pow3A_138 = arith.mulf %sub3A_137, %sub3A_137 : vector<512x128xf32>
    %sub3A_139 = vector.broadcast %slice3A_131 : vector<512x1xf32> to vector<512x128xf32>
    %sub3A_140 = arith.subf %sub3A_139, %get3A_7 : vector<512x128xf32>
    %integer_pow3A_141 = arith.mulf %sub3A_140, %sub3A_140 : vector<512x128xf32>
    %add3A_142 = arith.constant 2.500000e-04 : f32
    %add3A_143 = vector.broadcast %add3A_142 : f32 to vector<512x128xf32>
    %add3A_144 = arith.addf %integer_pow3A_141, %add3A_143 : vector<512x128xf32>
    %add3A_145 = arith.addf %integer_pow3A_138, %add3A_144 : vector<512x128xf32>
    %add3A_146 = arith.addf %integer_pow3A_135, %add3A_145 : vector<512x128xf32>
    %add3A_147 = vector.broadcast %slice3A_132 : vector<512x1xf32> to vector<512x128xf32>
    %add3A_148 = arith.addf %add3A_147, %get3A_10 : vector<512x128xf32>
    %sqrt3A_149 = math.sqrt %add3A_146 : vector<512x128xf32>
    %sub3A_150 = arith.subf %add3A_148, %sqrt3A_149 : vector<512x128xf32>
    %tanh3A_151 = math.tanh %sub3A_150 : vector<512x128xf32>
    %add3A_152 = arith.addf %add3A_128, %tanh3A_151 : vector<512x128xf32>
    %slice3A_153 = vector.extract_strided_slice %get3A_13 {offsets = [0, 10], sizes = [512, 1], strides = [1, 1]} : vector<512x64xf32> to vector<512x1xf32>
    %slice3A_154 = vector.extract_strided_slice %get3A_13 {offsets = [0, 26], sizes = [512, 1], strides = [1, 1]} : vector<512x64xf32> to vector<512x1xf32>
    %slice3A_155 = vector.extract_strided_slice %get3A_13 {offsets = [0, 42], sizes = [512, 1], strides = [1, 1]} : vector<512x64xf32> to vector<512x1xf32>
    %slice3A_156 = vector.extract_strided_slice %get3A_13 {offsets = [0, 58], sizes = [512, 1], strides = [1, 1]} : vector<512x64xf32> to vector<512x1xf32>
    %sub3A_157 = vector.broadcast %slice3A_153 : vector<512x1xf32> to vector<512x128xf32>
    %sub3A_158 = arith.subf %sub3A_157, %get3A_1 : vector<512x128xf32>
    %integer_pow3A_159 = arith.mulf %sub3A_158, %sub3A_158 : vector<512x128xf32>
    %sub3A_160 = vector.broadcast %slice3A_154 : vector<512x1xf32> to vector<512x128xf32>
    %sub3A_161 = arith.subf %sub3A_160, %get3A_4 : vector<512x128xf32>
    %integer_pow3A_162 = arith.mulf %sub3A_161, %sub3A_161 : vector<512x128xf32>
    %sub3A_163 = vector.broadcast %slice3A_155 : vector<512x1xf32> to vector<512x128xf32>
    %sub3A_164 = arith.subf %sub3A_163, %get3A_7 : vector<512x128xf32>
    %integer_pow3A_165 = arith.mulf %sub3A_164, %sub3A_164 : vector<512x128xf32>
    %add3A_166 = arith.constant 2.500000e-04 : f32
    %add3A_167 = vector.broadcast %add3A_166 : f32 to vector<512x128xf32>
    %add3A_168 = arith.addf %integer_pow3A_165, %add3A_167 : vector<512x128xf32>
    %add3A_169 = arith.addf %integer_pow3A_162, %add3A_168 : vector<512x128xf32>
    %add3A_170 = arith.addf %integer_pow3A_159, %add3A_169 : vector<512x128xf32>
    %add3A_171 = vector.broadcast %slice3A_156 : vector<512x1xf32> to vector<512x128xf32>
    %add3A_172 = arith.addf %add3A_171, %get3A_10 : vector<512x128xf32>
    %sqrt3A_173 = math.sqrt %add3A_170 : vector<512x128xf32>
    %sub3A_174 = arith.subf %add3A_172, %sqrt3A_173 : vector<512x128xf32>
    %tanh3A_175 = math.tanh %sub3A_174 : vector<512x128xf32>
    %add3A_176 = arith.addf %add3A_152, %tanh3A_175 : vector<512x128xf32>
    %slice3A_177 = vector.extract_strided_slice %get3A_13 {offsets = [0, 11], sizes = [512, 1], strides = [1, 1]} : vector<512x64xf32> to vector<512x1xf32>
    %slice3A_178 = vector.extract_strided_slice %get3A_13 {offsets = [0, 27], sizes = [512, 1], strides = [1, 1]} : vector<512x64xf32> to vector<512x1xf32>
    %slice3A_179 = vector.extract_strided_slice %get3A_13 {offsets = [0, 43], sizes = [512, 1], strides = [1, 1]} : vector<512x64xf32> to vector<512x1xf32>
    %slice3A_180 = vector.extract_strided_slice %get3A_13 {offsets = [0, 59], sizes = [512, 1], strides = [1, 1]} : vector<512x64xf32> to vector<512x1xf32>
    %sub3A_181 = vector.broadcast %slice3A_177 : vector<512x1xf32> to vector<512x128xf32>
    %sub3A_182 = arith.subf %sub3A_181, %get3A_1 : vector<512x128xf32>
    %integer_pow3A_183 = arith.mulf %sub3A_182, %sub3A_182 : vector<512x128xf32>
    %sub3A_184 = vector.broadcast %slice3A_178 : vector<512x1xf32> to vector<512x128xf32>
    %sub3A_185 = arith.subf %sub3A_184, %get3A_4 : vector<512x128xf32>
    %integer_pow3A_186 = arith.mulf %sub3A_185, %sub3A_185 : vector<512x128xf32>
    %sub3A_187 = vector.broadcast %slice3A_179 : vector<512x1xf32> to vector<512x128xf32>
    %sub3A_188 = arith.subf %sub3A_187, %get3A_7 : vector<512x128xf32>
    %integer_pow3A_189 = arith.mulf %sub3A_188, %sub3A_188 : vector<512x128xf32>
    %add3A_190 = arith.constant 2.500000e-04 : f32
    %add3A_191 = vector.broadcast %add3A_190 : f32 to vector<512x128xf32>
    %add3A_192 = arith.addf %integer_pow3A_189, %add3A_191 : vector<512x128xf32>
    %add3A_193 = arith.addf %integer_pow3A_186, %add3A_192 : vector<512x128xf32>
    %add3A_194 = arith.addf %integer_pow3A_183, %add3A_193 : vector<512x128xf32>
    %add3A_195 = vector.broadcast %slice3A_180 : vector<512x1xf32> to vector<512x128xf32>
    %add3A_196 = arith.addf %add3A_195, %get3A_10 : vector<512x128xf32>
    %sqrt3A_197 = math.sqrt %add3A_194 : vector<512x128xf32>
    %sub3A_198 = arith.subf %add3A_196, %sqrt3A_197 : vector<512x128xf32>
    %tanh3A_199 = math.tanh %sub3A_198 : vector<512x128xf32>
    %add3A_200 = arith.addf %add3A_176, %tanh3A_199 : vector<512x128xf32>
    %slice3A_201 = vector.extract_strided_slice %get3A_13 {offsets = [0, 12], sizes = [512, 1], strides = [1, 1]} : vector<512x64xf32> to vector<512x1xf32>
    %slice3A_202 = vector.extract_strided_slice %get3A_13 {offsets = [0, 28], sizes = [512, 1], strides = [1, 1]} : vector<512x64xf32> to vector<512x1xf32>
    %slice3A_203 = vector.extract_strided_slice %get3A_13 {offsets = [0, 44], sizes = [512, 1], strides = [1, 1]} : vector<512x64xf32> to vector<512x1xf32>
    %slice3A_204 = vector.extract_strided_slice %get3A_13 {offsets = [0, 60], sizes = [512, 1], strides = [1, 1]} : vector<512x64xf32> to vector<512x1xf32>
    %sub3A_205 = vector.broadcast %slice3A_201 : vector<512x1xf32> to vector<512x128xf32>
    %sub3A_206 = arith.subf %sub3A_205, %get3A_1 : vector<512x128xf32>
    %integer_pow3A_207 = arith.mulf %sub3A_206, %sub3A_206 : vector<512x128xf32>
    %sub3A_208 = vector.broadcast %slice3A_202 : vector<512x1xf32> to vector<512x128xf32>
    %sub3A_209 = arith.subf %sub3A_208, %get3A_4 : vector<512x128xf32>
    %integer_pow3A_210 = arith.mulf %sub3A_209, %sub3A_209 : vector<512x128xf32>
    %sub3A_211 = vector.broadcast %slice3A_203 : vector<512x1xf32> to vector<512x128xf32>
    %sub3A_212 = arith.subf %sub3A_211, %get3A_7 : vector<512x128xf32>
    %integer_pow3A_213 = arith.mulf %sub3A_212, %sub3A_212 : vector<512x128xf32>
    %add3A_214 = arith.constant 2.500000e-04 : f32
    %add3A_215 = vector.broadcast %add3A_214 : f32 to vector<512x128xf32>
    %add3A_216 = arith.addf %integer_pow3A_213, %add3A_215 : vector<512x128xf32>
    %add3A_217 = arith.addf %integer_pow3A_210, %add3A_216 : vector<512x128xf32>
    %add3A_218 = arith.addf %integer_pow3A_207, %add3A_217 : vector<512x128xf32>
    %add3A_219 = vector.broadcast %slice3A_204 : vector<512x1xf32> to vector<512x128xf32>
    %add3A_220 = arith.addf %add3A_219, %get3A_10 : vector<512x128xf32>
    %sqrt3A_221 = math.sqrt %add3A_218 : vector<512x128xf32>
    %sub3A_222 = arith.subf %add3A_220, %sqrt3A_221 : vector<512x128xf32>
    %tanh3A_223 = math.tanh %sub3A_222 : vector<512x128xf32>
    %add3A_224 = arith.addf %add3A_200, %tanh3A_223 : vector<512x128xf32>
    %slice3A_225 = vector.extract_strided_slice %get3A_13 {offsets = [0, 13], sizes = [512, 1], strides = [1, 1]} : vector<512x64xf32> to vector<512x1xf32>
    %slice3A_226 = vector.extract_strided_slice %get3A_13 {offsets = [0, 29], sizes = [512, 1], strides = [1, 1]} : vector<512x64xf32> to vector<512x1xf32>
    %slice3A_227 = vector.extract_strided_slice %get3A_13 {offsets = [0, 45], sizes = [512, 1], strides = [1, 1]} : vector<512x64xf32> to vector<512x1xf32>
    %slice3A_228 = vector.extract_strided_slice %get3A_13 {offsets = [0, 61], sizes = [512, 1], strides = [1, 1]} : vector<512x64xf32> to vector<512x1xf32>
    %sub3A_229 = vector.broadcast %slice3A_225 : vector<512x1xf32> to vector<512x128xf32>
    %sub3A_230 = arith.subf %sub3A_229, %get3A_1 : vector<512x128xf32>
    %integer_pow3A_231 = arith.mulf %sub3A_230, %sub3A_230 : vector<512x128xf32>
    %sub3A_232 = vector.broadcast %slice3A_226 : vector<512x1xf32> to vector<512x128xf32>
    %sub3A_233 = arith.subf %sub3A_232, %get3A_4 : vector<512x128xf32>
    %integer_pow3A_234 = arith.mulf %sub3A_233, %sub3A_233 : vector<512x128xf32>
    %sub3A_235 = vector.broadcast %slice3A_227 : vector<512x1xf32> to vector<512x128xf32>
    %sub3A_236 = arith.subf %sub3A_235, %get3A_7 : vector<512x128xf32>
    %integer_pow3A_237 = arith.mulf %sub3A_236, %sub3A_236 : vector<512x128xf32>
    %add3A_238 = arith.constant 2.500000e-04 : f32
    %add3A_239 = vector.broadcast %add3A_238 : f32 to vector<512x128xf32>
    %add3A_240 = arith.addf %integer_pow3A_237, %add3A_239 : vector<512x128xf32>
    %add3A_241 = arith.addf %integer_pow3A_234, %add3A_240 : vector<512x128xf32>
    %add3A_242 = arith.addf %integer_pow3A_231, %add3A_241 : vector<512x128xf32>
    %add3A_243 = vector.broadcast %slice3A_228 : vector<512x1xf32> to vector<512x128xf32>
    %add3A_244 = arith.addf %add3A_243, %get3A_10 : vector<512x128xf32>
    %sqrt3A_245 = math.sqrt %add3A_242 : vector<512x128xf32>
    %sub3A_246 = arith.subf %add3A_244, %sqrt3A_245 : vector<512x128xf32>
    %tanh3A_247 = math.tanh %sub3A_246 : vector<512x128xf32>
    %add3A_248 = arith.addf %add3A_224, %tanh3A_247 : vector<512x128xf32>
    %reduce_sum3A = arith.constant dense<0.000000e+00> : vector<512xf32>
    %reduce_sum3A_249 = vector.multi_reduction <add>, %add3A_248, %reduce_sum3A [1] : vector<512x128xf32> to vector<512xf32>
    %broadcast_in_dim3A_250 = vector.shape_cast %reduce_sum3A_249 : vector<512xf32> to vector<512x1xf32>
    %swap3A = arith.constant 0 : index
    %swap3A_251 = arith.constant 0 : index
    %swap3A_252 = vector.load %arg6[%swap3A, %swap3A_251] : memref<512x1xf32, #tpu.memory_space<vmem>>, vector<512x1xf32>
    tpu.vector_store %arg6[%swap3A, %swap3A_251], %broadcast_in_dim3A_250 {strides = array<i32>} : memref<512x1xf32, #tpu.memory_space<vmem>>, vector<512x1xf32>,
    return
  }
  func.func @transform_0(%arg0: i32) -> (i32, i32) {
    %c0_i32 = arith.constant 0 : i32
    %c0_i32_0 = arith.constant 0 : i32
    return %arg0, %c0_i32 : i32, i32
  }
  func.func @transform_1(%arg0: i32) -> (i32, i32) {
    %c0_i32 = arith.constant 0 : i32
    %c0_i32_0 = arith.constant 0 : i32
    return %arg0, %c0_i32 : i32, i32
  }
  func.func @transform_2(%arg0: i32) -> (i32, i32) {
    %c0_i32 = arith.constant 0 : i32
    %c0_i32_0 = arith.constant 0 : i32
    return %arg0, %c0_i32 : i32, i32
  }
  func.func @transform_3(%arg0: i32) -> (i32, i32) {
    %c0_i32 = arith.constant 0 : i32
    %c0_i32_0 = arith.constant 0 : i32
    return %arg0, %c0_i32 : i32, i32
  }
  func.func @transform_4(%arg0: i32) -> (i32, i32) {
    %c0_i32 = arith.constant 0 : i32
    %c0_i32_0 = arith.constant 0 : i32
    return %arg0, %c0_i32 : i32, i32
  }
  func.func @transform_5(%arg0: i32) -> (i32, i32) {
    %c0_i32 = arith.constant 0 : i32
    %c0_i32_0 = arith.constant 0 : i32
    return %arg0, %c0_i32 : i32, i32
  }
}

</mosaic_0001>

<sc_bundles>
// kernel: kernel.10.cloned.1.call-start
scs
__scs_entry_jumppad:
0x0: {  	(pc) =	sbr.rel $0x88, $3  }
0x1: {  	(tag) =	ssettag $0x0;
	lr =	simm.s32 $0x1  }
0x2: {  	[smem:$0x3F9D] =	sst lr;
	_ =	strace $0xD0000000  }
0x3: {  	_ = 	snop  }
0x4: {  	_ = 	snop  }
0x5: {  	_ = 	snop  }
0x6: {  	_ = 	snop  }
0x7: {  	_ = 	snop  }
__scs_overlays_trampoline_lowered:
0x8: {  	[smem:$0x3FAC] =	sst s0  }
0x9: {  	[smem:$0x3FAD] =	sst s1  }
0xa: {  	[smem:$0x3FAE] =	sst s2  }
0xb: {  	[smem:$0x3FAF] =	sst s3  }
0xc: {  	[smem:$0x3FB0] =	sst s4  }
0xd: {  	[smem:$0x3FB1] =	sst s5  }
0xe: {  	[smem:$0x3FB2] =	sst s6  }
0xf: {  	[smem:$0x3FB3] =	sst s7  }
0x10: {  	[smem:$0x3FB4] =	sst s8  }
0x11: {  	[smem:$0x3FB5] =	sst s9;
	s0 =	simm.s32 @!p0 $0x0  }
0x12: {  	s1 =	sld [smem:$0x3F9B];
	s0 =	simm.s32 @p0 $0x1  }
0x13: {  	[smem:$0x3FB6] =	sst s0;
	s0 =	simm.s32 @!p1 $0x0  }
0x14: {  	s2 =	sld [smem:$0x3F9A];
	s0 =	simm.s32 @p1 $0x1  }
0x15: {  	[smem:$0x3FB7] =	sst s0;
	s0 =	simm.s32 @!p2 $0x0  }
0x16: {  	s3 =	sld [smem:$0x3FDB];
	s0 =	simm.s32 @p2 $0x1  }
0x17: {  	s4 =	simm.s32 $0x1BF5;
	[smem:$0x3FB9] =	sst s0  }
0x18: {  	s0 =	sld [smem:$0x3F9C];
	_ =	swait.ge [sflag:s4], $0x0  }
0x19: {  	s7 =	sld [smem:$0x3F9D]  }
0x1a: {  	s8 =	sadd.s32 $0xFFFFE003, lr  }
0x1b: {  	s9 =	sadd.s32 $0xFFFFFEF7, lr;
	s5 =	simm.s32 $0xFFFFFFFF;
	p2 =	slt.u32 s8, $0xFFFFF086  }
0x1c: {  	p1 =	slt.u32 s9, $0xF7A;
	s5 =	simm.s32 @!p2 $0x0  }
0x1d: {  	s5 =	simm.s32 @p1 $0x1;
	p0 =	seq.s32 s7, s2  }
0x1e: {  	s7 =	smul.u32 @!p0 $0xF7A, s2;
	p2 =	seq.s32 @!p0 s5, $0x0  }
0x1f: {  	s9 =	smul.u32 $0xF7A, s1;
	s8 =	simm.s32 @!p0 $0x1BF5;
	p2 =	por !p2, p0  }
0x20: {  	[sflag:s8] =	ssyncset.s32 @!p0 $0xFFFFF086;
	s6 =	sadd.s32 @!p0 s3, s7;
	s7 =	simm.s32 @!p0 $0x108  }
0x21: {  	s3 =	sadd.s32 s3, s9;
	s6 =	sadd.s32 @!p0 $0x88, s6;
	s7 =	simm.s32 @p2 $0x1082  }
0x22: {  	[simem:s7], [sflag:s8] =	dma.local @!p0 [hbm:s6], $0xF7A  }
0x23: {  	s9 =	sor.u32 $0xD0000000, s2;
	s6 =	simm.s32 $0x108;
	_ =	swait.ge @!p0 [sflag:s8], $0x0  }
0x24: {  	s3 =	sadd.s32 $0x88, s3;
	s6 =	simm.s32 @!p1 $0x1082;
	[sflag:s4] =	ssyncset.s32 $0xFFFFF086  }
0x25: {  	[simem:s6], [sflag:s4] =	dma.local [hbm:s3], $0xF7A  }
0x26: {  	[smem:$0x3F9D] =	sst s1;
	(tag) =	ssettag s2;
	_ =	strace s9  }
0x27: {  	s1 =	sld [smem:$0x3FAD]  }
0x28: {  	s2 =	sld [smem:$0x3FAE]  }
0x29: {  	s4 =	sld [smem:$0x3FB0]  }
0x2a: {  	p0 =	seq.s32 s5, $0x0;
	s5 =	sld [smem:$0x3FB1]  }
0x2b: {  	s6 =	sld [smem:$0x3FB2]  }
0x2c: {  	s7 =	sld [smem:$0x3FB3]  }
0x2d: {  	s3 =	simm.s32 $0x108;
	s8 =	sld [smem:$0x3FB4]  }
0x2e: {  	s3 =	simm.s32 @!p0 $0x1082;
	s9 =	sld [smem:$0x3FB5]  }
0x2f: {  	lr =	sadd.s32 s0, s3;
	s0 =	sld [smem:$0x3FAC]  }
0x30: {  	s3 =	sld [smem:$0x3FAF]  }
0x31: {  	[smem:$0x3FB8] =	sst s10  }
0x32: {  	s10 =	sld [smem:$0x3FB6];
	_ =	sdelay $0x3  }
0x33: {  	p0 =	seq.s32 s10, $0x1;
	s10 =	sld [smem:$0x3FB8];
	_ =	sdelay $0x3  }
0x34: {  	[smem:$0x3FB8] =	sst s10  }
0x35: {  	s10 =	sld [smem:$0x3FB7];
	_ =	sdelay $0x3  }
0x36: {  	p1 =	seq.s32 s10, $0x1;
	s10 =	sld [smem:$0x3FB8];
	_ =	sdelay $0x3  }
0x37: {  	[smem:$0x3FB8] =	sst s10  }
0x38: {  	s10 =	sld [smem:$0x3FB9]  }
0x39: {  	_ = 	snop;
	(pc) =	sbr.ind lr, $3  }
0x3a: {  	_ = 	snop  }
0x3b: {  	_ = 	snop  }
0x3c: {  	p2 =	seq.s32 s10, $0x1;
	s10 =	sld [smem:$0x3FB8]  }
0x3d: {  	_ =	shalt  }
0x3e: {  	_ =	shalt  }
0x3f: {  	_ =	shalt  }
0x40: {  	_ =	shalt  }
0x41: {  	_ =	shalt  }
0x42: {  	_ =	shalt  }
0x43: {  	_ =	shalt  }
0x44: {  	_ =	shalt  }
0x45: {  	_ =	shalt  }
0x46: {  	_ =	shalt  }
0x47: {  	_ =	shalt  }
0x48: {  	_ =	shalt  }
0x49: {  	_ =	shalt  }
0x4a: {  	_ =	shalt  }
0x4b: {  	_ =	shalt  }
0x4c: {  	_ =	shalt  }
0x4d: {  	_ =	shalt  }
0x4e: {  	_ =	shalt  }
0x4f: {  	_ =	shalt  }
0x50: {  	_ =	shalt  }
0x51: {  	_ =	shalt  }
0x52: {  	_ =	shalt  }
0x53: {  	_ =	shalt  }
0x54: {  	_ =	shalt  }
0x55: {  	_ =	shalt  }
0x56: {  	_ =	shalt  }
0x57: {  	_ =	shalt  }
0x58: {  	_ =	shalt  }
0x59: {  	_ =	shalt  }
0x5a: {  	_ =	shalt  }
0x5b: {  	_ =	shalt  }
0x5c: {  	_ =	shalt  }
0x5d: {  	_ =	shalt  }
0x5e: {  	_ =	shalt  }
0x5f: {  	_ =	shalt  }
0x60: {  	_ =	shalt  }
0x61: {  	_ =	shalt  }
0x62: {  	_ =	shalt  }
0x63: {  	_ =	shalt  }
0x64: {  	_ =	shalt  }
0x65: {  	_ =	shalt  }
0x66: {  	_ =	shalt  }
0x67: {  	_ =	shalt  }
0x68: {  	_ =	shalt  }
0x69: {  	_ =	shalt  }
0x6a: {  	_ =	shalt  }
0x6b: {  	_ =	shalt  }
0x6c: {  	_ =	shalt  }
0x6d: {  	_ =	shalt  }
0x6e: {  	_ =	shalt  }
0x6f: {  	_ =	shalt  }
0x70: {  	_ =	shalt  }
0x71: {  	_ =	shalt  }
0x72: {  	_ =	shalt  }
0x73: {  	_ =	shalt  }
0x74: {  	_ =	shalt  }
0x75: {  	_ =	shalt  }
0x76: {  	_ =	shalt  }
0x77: {  	_ =	shalt  }
0x78: {  	_ =	shalt  }
0x79: {  	_ =	shalt  }
0x7a: {  	_ =	shalt  }
0x7b: {  	_ =	shalt  }
0x7c: {  	_ =	shalt  }
0x7d: {  	_ =	shalt  }
0x7e: {  	_ =	shalt  }
0x7f: {  	_ =	shalt  }
0x80: {  	_ =	shalt  }
0x81: {  	_ =	shalt  }
0x82: {  	_ =	shalt  }
0x83: {  	_ =	shalt  }
0x84: {  	_ =	shalt  }
0x85: {  	_ =	shalt  }
0x86: {  	_ =	shalt  }
0x87: {  	_ =	shalt  }
.Lfunc_end0:
.L_simem_size_0:
called_computation_lowered:
.L_overlay_start_0:
0x88: {  	s2 =	sld [smem:$0x3FD9]  }
0x89: {  	s3 =	sld [smem:$0x3FFE];
	_ =	sdelay $0x1  }
0x8a: {  	s1 =	srdreg.scid  }
0x8b: {  	s0 =	sand.u32 $0x1, s1  }
0x8c: {  	s17 =	sshll.u32 s0, $0xA;
	s2 =	sadd.s32 s3, s2  }
0x8d: {  	s2 =	sadd.s32 s2, s17  }
0x8e: {  	[smem:$0x3FC4] =	sst s2  }
0x8f: {  	_ = 	snop  }
0x90: {  	(tm) =	ssettm $0x1  }
0x91: {  	s18 =	sld [smem:$0x3FFB];
	_ =	sdelay $0x3  }
0x92: {  	_ =	strace s18  }
0x93: {  	s2 =	sld [smem:$0x3FFC];
	_ =	sdelay $0x3  }
0x94: {  	_ =	strace s2  }
0x95: {  	s2 =	sld [smem:$0x3FFD];
	_ =	sdelay $0x3  }
0x96: {  	_ =	strace s2  }
0x97: {  	_ =	strace $0x8FFFFFFF  }
0x98: {  	s19 =	sld [smem:$0x3FDB];
	_ =	sdelay $0x1  }
0x99: {  	s20 =	simm.s32 $_scs_section_size  }
0x9a: {  	s4 =	simm.s32 $_size__tile_overlayer_lowered;
	s5 =	simm.s32 $_tile_overlayer_lowered  }
0x9b: {  	s6 =	simm.s32 $0x1BFF;
	s21 =	sshll.u32 s5, $0x1;
	s3 =	sadd.s32 s20, s19  }
0x9c: {  	s22 =	simm.s32 $0x0;
	s4 =	sshll.u32 s4, $0x1;
	s5 =	sadd.s32 s21, s3  }
0x9d: {  	[timem:s22], [sflag:s6] =	dma.local [hbm:s5], s4  }
0x9e: {  	_ =	swait.ge [sflag:s6], s4  }
0x9f: {  	s4 =	ssub.s32 $0x0, s4;
	[sflag:s6] =	ssyncset.done $0x0  }
0xa0: {  	[sflag:s6] =	ssyncadd.s32 s4;
	_ =	sdelay $0x1  }
0xa1: {  	s23 =	simm.s32 $0x1B8B  }
0xa2: {  	_ =	swait.ge [sflag:s23], $0x1  }
0xa3: {  	[sflag:s23] =	ssyncset.done $0x0  }
0xa4: {  	[sflag:s23] =	ssyncadd.s32 $0xFFFFFFFF  }
0xa5: {  	s4 =	sld [smem:$0x0]  }
0xa6: {  	s5 =	sand.u32 $0xFFFFFFFE, s1  }
0xa7: {  	p0 =	sne.s32 s1, s5  }
0xa8: {  	s5 =	sshll.u32 @p0 s5, $0xE  }
0xa9: {  	s5 =	sadd.s32 @p0 $0x11B8D, s5;
	s6 =	sshll.u32 @p0 s4, $0x11  }
0xaa: {  	s5 =	sor.u32 @p0 s6, s5  }
0xab: {  	[sflag:s5] =	ssyncadd.remote.s32 @p0 $0x1;
	_ =	sdelay $0x1  }
0xac: {  	s5 =	simm.s32 @p0 $0x1B8D  }
0xad: {  	_ =	swait.eq @p0 [sflag:s5], $0x1  }
0xae: {  	[sflag:s5] =	ssyncadd.s32 @p0 $0xFFFFFFFF  }
0xaf: {  	s6 =	sshll.u32 @!p0 s1, $0xE  }
0xb0: {  	s6 =	sor.u32 @!p0 $0x4000, s6;
	s5 =	simm.s32 @!p0 $0x1B8D  }
0xb1: {  	s4 =	sshll.u32 @!p0 s4, $0x11;
	s6 =	sadd.s32 @!p0 $0x11B8D, s6;
	_ =	swait.eq @!p0 [sflag:s5], $0x1  }
0xb2: {  	s4 =	sor.u32 @!p0 s4, s6;
	[sflag:s5] =	ssyncadd.s32 @!p0 $0xFFFFFFFF  }
0xb3: {  	s25 =	simm.s32 $0x1B8E;
	s24 =	sld [smem:$0x3FFE];
	[sflag:s4] =	ssyncadd.remote.s32 @!p0 $0x1  }
0xb4: {  	s26 =	simm.s32 $execute0_lowered;
	[smem:$0x3FD2] =	sst s25  }
0xb5: {  	s5 =	sshll.u32 s26, $0x1;
	_ =	strace $0x8000004F;
	[dreg:$0x1] =	wrdreg $0xFFFFFFFF  }
0xb6: {  	s28 =	simm.s32 $_size_execute0_lowered;
	s3 =	sadd.s32 s3, s5;
	[dreg:$0x0] =	wrdreg $0x0  }
0xb7: {  	s5 =	sshll.u32 s28, $0x1;
	[dreg:$0x2] =	wrdreg s3  }
0xb8: {  	[dreg:$0x3] =	wrdreg s5  }
0xb9: {  	[dreg:$0x4] =	wrdreg $0xC0  }
0xba: {  	_ =	task [dreg:s22], $0x5FFFF  }
0xbb: {  	[dreg:$0x1] =	wrdreg $0xFFFFFFFF  }
0xbc: {  	[dreg:$0x0] =	wrdreg $0x60  }
0xbd: {  	[dreg:$0x2] =	wrdreg s24  }
0xbe: {  	[dreg:$0x3] =	wrdreg $0x9  }
0xbf: {  	_ =	task.clear_ibuf [dreg:s22], $0x4FFFF;
	_ =	strace $0x9000004F  }
0xc0: {  	s29 =	simm.s32 $0x9;
	_ =	strace $0x80000051  }
0xc1: {  	_ =	swait.ge [sflag:s29], $0x1  }
0xc2: {  	[sflag:s29] =	ssyncadd.s32 $0xFFFFFFFF  }
0xc3: {  	_ =	strace $0x90000051  }
0xc4: {  	_ =	sfence  }
0xc5: {  	s30 =	sld [smem:$0x0];
	_ =	sdelay $0x2  }
0xc6: {  	s31 =	sshll.u32 s1, $0xD;
	s1 =	sshrl.u32 s1, $0x2  }
0xc7: {  	s4 =	sand.u32 $0x4000, s31;
	s1 =	sadd.s32 s1, s30  }
0xc8: {  	s0 =	sor.u32 s4, s0;
	s1 =	sshll.u32 s1, $0x11  }
0xc9: {  	s0 =	sor.u32 s1, s0  }
0xca: {  	s0 =	sadd.s32 $0x8F2B, s0  }
0xcb: {  	[sflag:s0] =	ssyncadd.remote.s32 $0x1  }
0xcc: {  	_ =	sfence.sel $0xFFFF  }
0xcd: {  	[dreg:$0x0] =	wrdreg $0xFFFFFFFF;
	(pc) =	sbr.abs _section_cstart, $3  }
0xce: {  	[dreg:$0x1] =	wrdreg $0xFFFFFFFF  }
0xcf: {  	_ =	task.clear_ibuf [dreg:s22], $0x2FFFF;
	_ =	strace $0x9FFFFFFF  }
0xd0: {  	(tm) =	ssettm $0x7FFFFFFF  }
0xd1: {  	_ =	shalt  }
tec
execute0_lowered:
.L_overlay_start_1:
0x0: {  	(tag) =	ssettag $0x1  }
0x1: {  	s7 =	rddreg [dreg:$0x0]  }
0x2: {  	s0 =	rddreg [dreg:$0x1]  }
0x3: {  	s2 =	simm.s32 $0x0;
	s3 =	srdreg.scid;
	s1 =	stileid.u32  }
0x4: {  	s13 =	simm.s32 $0x5;
	s14 =	simm.s32 $0x80;
	s15 =	simm.s32 $0x400  }
0x5: {  	s16 =	simm.s32 $0xC00;
	s17 =	simm.s32 $0x1400;
	s18 =	simm.s32 $0x1C00  }
0x6: {  	s19 =	simm.s32 $0x1;
	s20 =	simm.s32 $0x2;
	s21 =	simm.s32 $0x3  }
0x7: {  	s22 =	simm.s32 $0x4;
	s23 =	simm.s32 $0x0;
	[smem:$0x7FF] =	sst s2  }
0x8: {  	s8 =	sand.u32 $0x1, s3;
	s3 =	sadd.s32 $0x2800, s7;
	s6 =	sshll.u32 s1, $0xB  }
0x9: {  	s4 =	sadd.s32 $0x4A00, s7;
	s5 =	sadd.s32 $0x6C00, s7;
	s11 =	sshll.u32 s1, $0xC  }
0xa: {  	_ =	strace $0x80000050;
	s9 =	sshll.u32 s8, $0xA;
	s10 =	ssub.s32 $0x2, s8  }
0xb: {  	s11 =	sadd.s32 s11, s7;
	s31 =	sshll.u32 s8, $0xB;
	s9 =	sor.u32 s9, s6  }
0xc: {  	s6 =	sadd.s32 $0x8E00, s7;
	s12 =	sshrl.u32 s10, $0x1;
	s9 =	sshrl.u32 s9, $0x3  }
0xd: {  	s10 =	ssub.s32 s10, s12;
	s12 =	sadd.s32 s31, s11;
	s9 =	sadd.s32 s9, s7  }
0xe: {  	s8 =	smax.u32 s10, $0x1;
	s10 =	sadd.s32 $0xEE000, s12;
	s11 =	sadd.s32 $0xDE000, s12  }
0xf: {  	s7 =	sadd.s32 $0xCD000, s9;
	s9 =	sadd.s32 $0xFE000, s12;
	s12 =	sadd.s32 $0xCE000, s12  }
.LBB2_1:
0x10: {  	[tilespmem:s2], [sflag:$0x5] =	stream.linear.gather [hbm4b:s7+s2], $0x400, $0x38;
	[tilespmem:$0x2400] =	vst v63  }
0x11: {  	_ =	swait.ge [sflag:s13], $0x400  }
0x12: {  	[sflag:s13] =	ssyncset.done $0x0  }
0x13: {  	[sflag:s13] =	ssyncadd.s32 $0xFFFFFC00  }
0x14: {  	[tilespmem:s15], [sflag:$0x1] =	stream.indirect.gather [hbm4b:s3+s14], $0x10, s2, s14, $0xb8;
	[tilespmem:$0x2400] =	vst v63  }
0x15: {  	_ = 	snop  }
0x16: {  	[tilespmem:s16], [sflag:$0x2] =	stream.indirect.gather [hbm4b:s4+s14], $0x10, s2, s14, $0xb8;
	[tilespmem:$0x2400] =	vst v63  }
0x17: {  	_ = 	snop  }
0x18: {  	[tilespmem:s17], [sflag:$0x3] =	stream.indirect.gather [hbm4b:s5+s14], $0x10, s2, s14, $0xb8;
	[tilespmem:$0x2400] =	vst v63  }
0x19: {  	_ = 	snop  }
0x1a: {  	[tilespmem:s18], [sflag:$0x4] =	stream.indirect.gather [hbm4b:s6+s14], $0x10, s2, s14, $0xb8;
	[tilespmem:$0x2400] =	vst v63  }
0x1b: {  	_ =	swait.ge [sflag:s19], $0x800  }
0x1c: {  	[sflag:s19] =	ssyncset.done $0x0  }
0x1d: {  	[sflag:s19] =	ssyncadd.s32 $0xFFFFF800  }
0x1e: {  	_ =	swait.ge [sflag:s20], $0x800  }
0x1f: {  	[sflag:s20] =	ssyncset.done $0x0  }
0x20: {  	[sflag:s20] =	ssyncadd.s32 $0xFFFFF800  }
0x21: {  	_ =	swait.ge [sflag:s21], $0x800  }
0x22: {  	[sflag:s21] =	ssyncset.done $0x0  }
0x23: {  	[sflag:s21] =	ssyncadd.s32 $0xFFFFF800  }
0x24: {  	_ =	swait.ge [sflag:s22], $0x800  }
0x25: {  	[sflag:s22] =	ssyncset.done $0x0  }
0x26: {  	s24 =	sadd.s32 $0x0, s12;
	[sflag:s22] =	ssyncadd.s32 $0xFFFFF800  }
0x27: {  	[hbm4b:s24+s2] =	stream.linear.scatter [tilespmem:s15], [sflag:$0x5], $0x800, $0x38;
	[tilespmem:$0x2400] =	vst v63  }
0x28: {  	_ =	swait.ge [sflag:s13], $0x800  }
0x29: {  	[sflag:s13] =	ssyncset.done $0x0  }
0x2a: {  	s29 =	sadd.s32 $0x0, s11;
	[sflag:s13] =	ssyncadd.s32 $0xFFFFF800  }
0x2b: {  	[hbm4b:s29+s2] =	stream.linear.scatter [tilespmem:s16], [sflag:$0x5], $0x800, $0x38;
	[tilespmem:$0x2400] =	vst v63  }
0x2c: {  	_ =	swait.ge [sflag:s13], $0x800  }
0x2d: {  	[sflag:s13] =	ssyncset.done $0x0  }
0x2e: {  	s30 =	sadd.s32 $0x0, s10;
	[sflag:s13] =	ssyncadd.s32 $0xFFFFF800  }
0x2f: {  	[hbm4b:s30+s2] =	stream.linear.scatter [tilespmem:s17], [sflag:$0x5], $0x800, $0x38;
	[tilespmem:$0x2400] =	vst v63  }
0x30: {  	_ =	swait.ge [sflag:s13], $0x800  }
0x31: {  	[sflag:s13] =	ssyncset.done $0x0  }
0x32: {  	s31 =	sadd.s32 $0x0, s9;
	[sflag:s13] =	ssyncadd.s32 $0xFFFFF800  }
0x33: {  	[hbm4b:s31+s2] =	stream.linear.scatter [tilespmem:s18], [sflag:$0x5], $0x800, $0x38;
	[tilespmem:$0x2400] =	vst v63  }
0x34: {  	_ =	swait.ge [sflag:s13], $0x800  }
0x35: {  	s25 =	simm.s32 $0x0;
	s24 =	simm.s32 $0x100;
	[sflag:s13] =	ssyncset.done $0x0  }
.LBB2_2:
0x36: {  	p0 =	sne.s32 s24, $0x700;
	[sflag:s13] =	ssyncadd.s32 $0xFFFFF800;
	s25 =	sadd.s32 $0x80, s25  }
0x37: {  	[tilespmem:s15], [sflag:$0x1] =	stream.indirect.gather [hbm4b:s3+s14], $0x10, s25, s14, $0xb8;
	[tilespmem:$0x2400] =	vst v63  }
0x38: {  	s26 =	smov.u32 s24;
	s24 =	sadd.s32 $0x100, s24  }
0x39: {  	[tilespmem:s16], [sflag:$0x2] =	stream.indirect.gather [hbm4b:s4+s14], $0x10, s25, s14, $0xb8;
	[tilespmem:$0x2400] =	vst v63  }
0x3a: {  	_ = 	snop  }
0x3b: {  	[tilespmem:s17], [sflag:$0x3] =	stream.indirect.gather [hbm4b:s5+s14], $0x10, s25, s14, $0xb8;
	[tilespmem:$0x2400] =	vst v63  }
0x3c: {  	_ = 	snop  }
0x3d: {  	[tilespmem:s18], [sflag:$0x4] =	stream.indirect.gather [hbm4b:s6+s14], $0x10, s25, s14, $0xb8;
	[tilespmem:$0x2400] =	vst v63  }
0x3e: {  	_ =	swait.ge [sflag:s19], $0x800  }
0x3f: {  	[sflag:s19] =	ssyncset.done $0x0  }
0x40: {  	[sflag:s19] =	ssyncadd.s32 $0xFFFFF800  }
0x41: {  	_ =	swait.ge [sflag:s20], $0x800  }
0x42: {  	[sflag:s20] =	ssyncset.done $0x0  }
0x43: {  	[sflag:s20] =	ssyncadd.s32 $0xFFFFF800  }
0x44: {  	_ =	swait.ge [sflag:s21], $0x800  }
0x45: {  	[sflag:s21] =	ssyncset.done $0x0  }
0x46: {  	[sflag:s21] =	ssyncadd.s32 $0xFFFFF800  }
0x47: {  	_ =	swait.ge [sflag:s22], $0x800  }
0x48: {  	[sflag:s22] =	ssyncset.done $0x0  }
0x49: {  	s28 =	sadd.s32 s26, s12;
	[sflag:s22] =	ssyncadd.s32 $0xFFFFF800  }
0x4a: {  	[hbm4b:s28+s2] =	stream.linear.scatter [tilespmem:s15], [sflag:$0x5], $0x800, $0x38;
	[tilespmem:$0x2400] =	vst v63  }
0x4b: {  	_ =	swait.ge [sflag:s13], $0x800  }
0x4c: {  	[sflag:s13] =	ssyncset.done $0x0  }
0x4d: {  	s28 =	sadd.s32 s26, s11;
	[sflag:s13] =	ssyncadd.s32 $0xFFFFF800  }
0x4e: {  	[hbm4b:s28+s2] =	stream.linear.scatter [tilespmem:s16], [sflag:$0x5], $0x800, $0x38;
	[tilespmem:$0x2400] =	vst v63  }
0x4f: {  	_ =	swait.ge [sflag:s13], $0x800  }
0x50: {  	[sflag:s13] =	ssyncset.done $0x0  }
0x51: {  	s28 =	sadd.s32 s26, s10;
	[sflag:s13] =	ssyncadd.s32 $0xFFFFF800  }
0x52: {  	[hbm4b:s28+s2] =	stream.linear.scatter [tilespmem:s17], [sflag:$0x5], $0x800, $0x38;
	[tilespmem:$0x2400] =	vst v63  }
0x53: {  	_ =	swait.ge [sflag:s13], $0x800  }
.Ltmp0:
0x54: {  	[sflag:s13] =	ssyncset.done $0x0;
	(pc) =	sbr.rel @p0 .LBB2_2-.Ltmp0, $4  }
0x55: {  	s26 =	sadd.s32 s26, s9;
	[sflag:s13] =	ssyncadd.s32 $0xFFFFF800  }
0x56: {  	[hbm4b:s26+s2] =	stream.linear.scatter [tilespmem:s18], [sflag:$0x5], $0x800, $0x38;
	[tilespmem:$0x2400] =	vst v63  }
0x57: {  	_ =	swait.ge [sflag:s13], $0x800  }
0x58: {  	[sflag:s13] =	ssyncset.done $0x0  }
0x59: {  	s23 =	sadd.s32 $0x1, s23  }
0x5a: {  	p0 =	sne.s32 s23, s8  }
.Ltmp1:
0x5b: {  	_ = 	snop;
	(pc) =	sbr.rel @p0 .LBB2_1-.Ltmp1, $2  }
0x5c: {  	_ =	sdelay $0x2  }
0x5d: {  	[sflag:s13] =	ssyncadd.s32 $0xFFFFF800  }
0x5e: {  	_ =	sfence.sel $0x180000  }
0x5f: {  	[bflag:$0x0] =	sbarrier.arrive $0xFFFF  }
0x60: {  	p0 =	sne.s32 s1, $0x0;
	_ =	strace $0x90000050  }
0x61: {  	s0 =	sadd.s32 @!p0 $0x100000, s0;
	[bflag:$0x2] =	sbarrier.arrive $0xFFFF  }
0x62: {  	[sflag:s0] =	ssyncadd.tile.s32 @!p0 $0x1;
	_ =	shalt  }
.Lfunc_end2:
_tile_overlayer_lowered:
.L_overlay_start_2:
0x63: {  	(tag) =	ssettag $0x2  }
0x64: {  	s0 =	rddreg [dreg:$0x0];
	s2 =	stileid.u32  }
0x65: {  	s1 =	rddreg [dreg:$0x1];
	p0 =	sne.s32 s2, $0x0  }
0x66: {  	s3 =	rddreg [dreg:$0x2];
	[bflag:$0x3] =	sbarrier.arrive $0xFFFF;
	s2 =	simm.s32 @!p0 $0x1C05  }
0x67: {  	[timem:s3], [sflag:s2] =	dma.local @!p0 [hbm:s0], s1  }
0x68: {  	s0 =	simm.s32 @!p0 $0x5  }
0x69: {  	_ =	swait.ge @!p0 [sflag:s0], s1  }
0x6a: {  	s1 =	ssub.s32 @!p0 $0x0, s1;
	[sflag:s0] =	ssyncset.done @!p0 $0x0  }
0x6b: {  	[sflag:s0] =	ssyncadd.s32 @!p0 s1  }
0x6c: {  	[bflag:$0x3] =	sbarrier.arrive $0xFFFF  }
0x6d: {  	_ =	shalt  }

// kernel: kernel.13.cloned.1.call-start
scs
__scs_entry_jumppad:
0x0: {  	(pc) =	sbr.rel $0x88, $3  }
0x1: {  	(tag) =	ssettag $0x0;
	lr =	simm.s32 $0x1  }
0x2: {  	[smem:$0x3F9D] =	sst lr;
	_ =	strace $0xD0000000  }
0x3: {  	_ = 	snop  }
0x4: {  	_ = 	snop  }
0x5: {  	_ = 	snop  }
0x6: {  	_ = 	snop  }
0x7: {  	_ = 	snop  }
__scs_overlays_trampoline_lowered:
0x8: {  	[smem:$0x3FAC] =	sst s0  }
0x9: {  	[smem:$0x3FAD] =	sst s1  }
0xa: {  	[smem:$0x3FAE] =	sst s2  }
0xb: {  	[smem:$0x3FAF] =	sst s3  }
0xc: {  	[smem:$0x3FB0] =	sst s4  }
0xd: {  	[smem:$0x3FB1] =	sst s5  }
0xe: {  	[smem:$0x3FB2] =	sst s6  }
0xf: {  	[smem:$0x3FB3] =	sst s7  }
0x10: {  	[smem:$0x3FB4] =	sst s8  }
0x11: {  	[smem:$0x3FB5] =	sst s9;
	s0 =	simm.s32 @!p0 $0x0  }
0x12: {  	s1 =	sld [smem:$0x3F9B];
	s0 =	simm.s32 @p0 $0x1  }
0x13: {  	[smem:$0x3FB6] =	sst s0;
	s0 =	simm.s32 @!p1 $0x0  }
0x14: {  	s2 =	sld [smem:$0x3F9A];
	s0 =	simm.s32 @p1 $0x1  }
0x15: {  	[smem:$0x3FB7] =	sst s0;
	s0 =	simm.s32 @!p2 $0x0  }
0x16: {  	s3 =	sld [smem:$0x3FDB];
	s0 =	simm.s32 @p2 $0x1  }
0x17: {  	s4 =	simm.s32 $0x1BF5;
	[smem:$0x3FB9] =	sst s0  }
0x18: {  	s0 =	sld [smem:$0x3F9C];
	_ =	swait.ge [sflag:s4], $0x0  }
0x19: {  	s7 =	sld [smem:$0x3F9D]  }
0x1a: {  	s8 =	sadd.s32 $0xFFFFE003, lr  }
0x1b: {  	s9 =	sadd.s32 $0xFFFFFEF7, lr;
	s5 =	simm.s32 $0xFFFFFFFF;
	p2 =	slt.u32 s8, $0xFFFFF086  }
0x1c: {  	p1 =	slt.u32 s9, $0xF7A;
	s5 =	simm.s32 @!p2 $0x0  }
0x1d: {  	s5 =	simm.s32 @p1 $0x1;
	p0 =	seq.s32 s7, s2  }
0x1e: {  	s7 =	smul.u32 @!p0 $0xF7A, s2;
	p2 =	seq.s32 @!p0 s5, $0x0  }
0x1f: {  	s9 =	smul.u32 $0xF7A, s1;
	s8 =	simm.s32 @!p0 $0x1BF5;
	p2 =	por !p2, p0  }
0x20: {  	[sflag:s8] =	ssyncset.s32 @!p0 $0xFFFFF086;
	s6 =	sadd.s32 @!p0 s3, s7;
	s7 =	simm.s32 @!p0 $0x108  }
0x21: {  	s3 =	sadd.s32 s3, s9;
	s6 =	sadd.s32 @!p0 $0x88, s6;
	s7 =	simm.s32 @p2 $0x1082  }
0x22: {  	[simem:s7], [sflag:s8] =	dma.local @!p0 [hbm:s6], $0xF7A  }
0x23: {  	s9 =	sor.u32 $0xD0000000, s2;
	s6 =	simm.s32 $0x108;
	_ =	swait.ge @!p0 [sflag:s8], $0x0  }
0x24: {  	s3 =	sadd.s32 $0x88, s3;
	s6 =	simm.s32 @!p1 $0x1082;
	[sflag:s4] =	ssyncset.s32 $0xFFFFF086  }
0x25: {  	[simem:s6], [sflag:s4] =	dma.local [hbm:s3], $0xF7A  }
0x26: {  	[smem:$0x3F9D] =	sst s1;
	(tag) =	ssettag s2;
	_ =	strace s9  }
0x27: {  	s1 =	sld [smem:$0x3FAD]  }
0x28: {  	s2 =	sld [smem:$0x3FAE]  }
0x29: {  	s4 =	sld [smem:$0x3FB0]  }
0x2a: {  	p0 =	seq.s32 s5, $0x0;
	s5 =	sld [smem:$0x3FB1]  }
0x2b: {  	s6 =	sld [smem:$0x3FB2]  }
0x2c: {  	s7 =	sld [smem:$0x3FB3]  }
0x2d: {  	s3 =	simm.s32 $0x108;
	s8 =	sld [smem:$0x3FB4]  }
0x2e: {  	s3 =	simm.s32 @!p0 $0x1082;
	s9 =	sld [smem:$0x3FB5]  }
0x2f: {  	lr =	sadd.s32 s0, s3;
	s0 =	sld [smem:$0x3FAC]  }
0x30: {  	s3 =	sld [smem:$0x3FAF]  }
0x31: {  	[smem:$0x3FB8] =	sst s10  }
0x32: {  	s10 =	sld [smem:$0x3FB6];
	_ =	sdelay $0x3  }
0x33: {  	p0 =	seq.s32 s10, $0x1;
	s10 =	sld [smem:$0x3FB8];
	_ =	sdelay $0x3  }
0x34: {  	[smem:$0x3FB8] =	sst s10  }
0x35: {  	s10 =	sld [smem:$0x3FB7];
	_ =	sdelay $0x3  }
0x36: {  	p1 =	seq.s32 s10, $0x1;
	s10 =	sld [smem:$0x3FB8];
	_ =	sdelay $0x3  }
0x37: {  	[smem:$0x3FB8] =	sst s10  }
0x38: {  	s10 =	sld [smem:$0x3FB9]  }
0x39: {  	_ = 	snop;
	(pc) =	sbr.ind lr, $3  }
0x3a: {  	_ = 	snop  }
0x3b: {  	_ = 	snop  }
0x3c: {  	p2 =	seq.s32 s10, $0x1;
	s10 =	sld [smem:$0x3FB8]  }
0x3d: {  	_ =	shalt  }
0x3e: {  	_ =	shalt  }
0x3f: {  	_ =	shalt  }
0x40: {  	_ =	shalt  }
0x41: {  	_ =	shalt  }
0x42: {  	_ =	shalt  }
0x43: {  	_ =	shalt  }
0x44: {  	_ =	shalt  }
0x45: {  	_ =	shalt  }
0x46: {  	_ =	shalt  }
0x47: {  	_ =	shalt  }
0x48: {  	_ =	shalt  }
0x49: {  	_ =	shalt  }
0x4a: {  	_ =	shalt  }
0x4b: {  	_ =	shalt  }
0x4c: {  	_ =	shalt  }
0x4d: {  	_ =	shalt  }
0x4e: {  	_ =	shalt  }
0x4f: {  	_ =	shalt  }
0x50: {  	_ =	shalt  }
0x51: {  	_ =	shalt  }
0x52: {  	_ =	shalt  }
0x53: {  	_ =	shalt  }
0x54: {  	_ =	shalt  }
0x55: {  	_ =	shalt  }
0x56: {  	_ =	shalt  }
0x57: {  	_ =	shalt  }
0x58: {  	_ =	shalt  }
0x59: {  	_ =	shalt  }
0x5a: {  	_ =	shalt  }
0x5b: {  	_ =	shalt  }
0x5c: {  	_ =	shalt  }
0x5d: {  	_ =	shalt  }
0x5e: {  	_ =	shalt  }
0x5f: {  	_ =	shalt  }
0x60: {  	_ =	shalt  }
0x61: {  	_ =	shalt  }
0x62: {  	_ =	shalt  }
0x63: {  	_ =	shalt  }
0x64: {  	_ =	shalt  }
0x65: {  	_ =	shalt  }
0x66: {  	_ =	shalt  }
0x67: {  	_ =	shalt  }
0x68: {  	_ =	shalt  }
0x69: {  	_ =	shalt  }
0x6a: {  	_ =	shalt  }
0x6b: {  	_ =	shalt  }
0x6c: {  	_ =	shalt  }
0x6d: {  	_ =	shalt  }
0x6e: {  	_ =	shalt  }
0x6f: {  	_ =	shalt  }
0x70: {  	_ =	shalt  }
0x71: {  	_ =	shalt  }
0x72: {  	_ =	shalt  }
0x73: {  	_ =	shalt  }
0x74: {  	_ =	shalt  }
0x75: {  	_ =	shalt  }
0x76: {  	_ =	shalt  }
0x77: {  	_ =	shalt  }
0x78: {  	_ =	shalt  }
0x79: {  	_ =	shalt  }
0x7a: {  	_ =	shalt  }
0x7b: {  	_ =	shalt  }
0x7c: {  	_ =	shalt  }
0x7d: {  	_ =	shalt  }
0x7e: {  	_ =	shalt  }
0x7f: {  	_ =	shalt  }
0x80: {  	_ =	shalt  }
0x81: {  	_ =	shalt  }
0x82: {  	_ =	shalt  }
0x83: {  	_ =	shalt  }
0x84: {  	_ =	shalt  }
0x85: {  	_ =	shalt  }
0x86: {  	_ =	shalt  }
0x87: {  	_ =	shalt  }
.Lfunc_end0:
.L_simem_size_0:
called_computation.1_lowered:
.L_overlay_start_0:
0x88: {  	s2 =	sld [smem:$0x3FD9]  }
0x89: {  	s3 =	sld [smem:$0x3FFE];
	_ =	sdelay $0x1  }
0x8a: {  	s1 =	srdreg.scid  }
0x8b: {  	s0 =	sand.u32 $0x1, s1  }
0x8c: {  	s17 =	sshll.u32 s0, $0xA;
	s2 =	sadd.s32 s3, s2  }
0x8d: {  	s2 =	sadd.s32 s2, s17  }
0x8e: {  	[smem:$0x3FC4] =	sst s2  }
0x8f: {  	_ = 	snop  }
0x90: {  	(tm) =	ssettm $0x1  }
0x91: {  	s18 =	sld [smem:$0x3FFB];
	_ =	sdelay $0x3  }
0x92: {  	_ =	strace s18  }
0x93: {  	s2 =	sld [smem:$0x3FFC];
	_ =	sdelay $0x3  }
0x94: {  	_ =	strace s2  }
0x95: {  	s2 =	sld [smem:$0x3FFD];
	_ =	sdelay $0x3  }
0x96: {  	_ =	strace s2  }
0x97: {  	_ =	strace $0x8FFFFFFF  }
0x98: {  	s19 =	sld [smem:$0x3FDB];
	_ =	sdelay $0x1  }
0x99: {  	s20 =	simm.s32 $_scs_section_size  }
0x9a: {  	s4 =	simm.s32 $_size__tile_overlayer_lowered;
	s5 =	simm.s32 $_tile_overlayer_lowered  }
0x9b: {  	s6 =	simm.s32 $0x1BFF;
	s21 =	sshll.u32 s5, $0x1;
	s3 =	sadd.s32 s20, s19  }
0x9c: {  	s22 =	simm.s32 $0x0;
	s4 =	sshll.u32 s4, $0x1;
	s5 =	sadd.s32 s21, s3  }
0x9d: {  	[timem:s22], [sflag:s6] =	dma.local [hbm:s5], s4  }
0x9e: {  	_ =	swait.ge [sflag:s6], s4  }
0x9f: {  	s4 =	ssub.s32 $0x0, s4;
	[sflag:s6] =	ssyncset.done $0x0  }
0xa0: {  	[sflag:s6] =	ssyncadd.s32 s4;
	_ =	sdelay $0x1  }
0xa1: {  	s23 =	simm.s32 $0x1B8B  }
0xa2: {  	_ =	swait.ge [sflag:s23], $0x1  }
0xa3: {  	[sflag:s23] =	ssyncset.done $0x0  }
0xa4: {  	[sflag:s23] =	ssyncadd.s32 $0xFFFFFFFF  }
0xa5: {  	s4 =	sld [smem:$0x0]  }
0xa6: {  	s5 =	sand.u32 $0xFFFFFFFE, s1  }
0xa7: {  	p0 =	sne.s32 s1, s5  }
0xa8: {  	s5 =	sshll.u32 @p0 s5, $0xE  }
0xa9: {  	s5 =	sadd.s32 @p0 $0x11B8D, s5;
	s6 =	sshll.u32 @p0 s4, $0x11  }
0xaa: {  	s5 =	sor.u32 @p0 s6, s5  }
0xab: {  	[sflag:s5] =	ssyncadd.remote.s32 @p0 $0x1;
	_ =	sdelay $0x1  }
0xac: {  	s5 =	simm.s32 @p0 $0x1B8D  }
0xad: {  	_ =	swait.eq @p0 [sflag:s5], $0x1  }
0xae: {  	[sflag:s5] =	ssyncadd.s32 @p0 $0xFFFFFFFF  }
0xaf: {  	s6 =	sshll.u32 @!p0 s1, $0xE  }
0xb0: {  	s6 =	sor.u32 @!p0 $0x4000, s6;
	s5 =	simm.s32 @!p0 $0x1B8D  }
0xb1: {  	s4 =	sshll.u32 @!p0 s4, $0x11;
	s6 =	sadd.s32 @!p0 $0x11B8D, s6;
	_ =	swait.eq @!p0 [sflag:s5], $0x1  }
0xb2: {  	s4 =	sor.u32 @!p0 s4, s6;
	[sflag:s5] =	ssyncadd.s32 @!p0 $0xFFFFFFFF  }
0xb3: {  	s25 =	simm.s32 $0x1B8E;
	s24 =	sld [smem:$0x3FFE];
	[sflag:s4] =	ssyncadd.remote.s32 @!p0 $0x1  }
0xb4: {  	s26 =	simm.s32 $execute0_lowered;
	[smem:$0x3FD2] =	sst s25  }
0xb5: {  	s5 =	sshll.u32 s26, $0x1;
	_ =	strace $0x8000004C;
	[dreg:$0x1] =	wrdreg $0xFFFFFFFF  }
0xb6: {  	s28 =	simm.s32 $_size_execute0_lowered;
	s3 =	sadd.s32 s3, s5;
	[dreg:$0x0] =	wrdreg $0x0  }
0xb7: {  	s5 =	sshll.u32 s28, $0x1;
	[dreg:$0x2] =	wrdreg s3  }
0xb8: {  	[dreg:$0x3] =	wrdreg s5  }
0xb9: {  	[dreg:$0x4] =	wrdreg $0xC0  }
0xba: {  	_ =	task [dreg:s22], $0x5FFFF  }
0xbb: {  	[dreg:$0x1] =	wrdreg $0xFFFFFFFF  }
0xbc: {  	[dreg:$0x0] =	wrdreg $0x60  }
0xbd: {  	[dreg:$0x2] =	wrdreg s24  }
0xbe: {  	[dreg:$0x3] =	wrdreg $0xA  }
0xbf: {  	_ =	task.clear_ibuf [dreg:s22], $0x4FFFF;
	_ =	strace $0x9000004C  }
0xc0: {  	s29 =	simm.s32 $0xA;
	_ =	strace $0x8000004E  }
0xc1: {  	_ =	swait.ge [sflag:s29], $0x1  }
0xc2: {  	[sflag:s29] =	ssyncadd.s32 $0xFFFFFFFF  }
0xc3: {  	_ =	strace $0x9000004E  }
0xc4: {  	_ =	sfence  }
0xc5: {  	s30 =	sld [smem:$0x0];
	_ =	sdelay $0x2  }
0xc6: {  	s31 =	sshll.u32 s1, $0xD;
	s1 =	sshrl.u32 s1, $0x2  }
0xc7: {  	s4 =	sand.u32 $0x4000, s31;
	s1 =	sadd.s32 s1, s30  }
0xc8: {  	s0 =	sor.u32 s4, s0;
	s1 =	sshll.u32 s1, $0x11  }
0xc9: {  	s0 =	sor.u32 s1, s0  }
0xca: {  	s0 =	sadd.s32 $0x8F2B, s0  }
0xcb: {  	[sflag:s0] =	ssyncadd.remote.s32 $0x1  }
0xcc: {  	_ =	sfence.sel $0xFFFF  }
0xcd: {  	[dreg:$0x0] =	wrdreg $0xFFFFFFFF;
	(pc) =	sbr.abs _section_cstart, $3  }
0xce: {  	[dreg:$0x1] =	wrdreg $0xFFFFFFFF  }
0xcf: {  	_ =	task.clear_ibuf [dreg:s22], $0x2FFFF;
	_ =	strace $0x9FFFFFFF  }
0xd0: {  	(tm) =	ssettm $0x7FFFFFFF  }
0xd1: {  	_ =	shalt  }
tec
execute0_lowered:
.L_overlay_start_1:
0x0: {  	(tag) =	ssettag $0x1  }
0x1: {  	s7 =	rddreg [dreg:$0x0]  }
0x2: {  	s0 =	rddreg [dreg:$0x1]  }
0x3: {  	s2 =	simm.s32 $0x0;
	s3 =	srdreg.scid;
	s1 =	stileid.u32  }
0x4: {  	s13 =	simm.s32 $0x5;
	s14 =	simm.s32 $0x80;
	s15 =	simm.s32 $0x400  }
0x5: {  	s16 =	simm.s32 $0xC00;
	s17 =	simm.s32 $0x1400;
	s18 =	simm.s32 $0x1C00  }
0x6: {  	s19 =	simm.s32 $0x1;
	s20 =	simm.s32 $0x2;
	s21 =	simm.s32 $0x3  }
0x7: {  	s22 =	simm.s32 $0x4;
	s23 =	simm.s32 $0x0;
	[smem:$0x7FF] =	sst s2  }
0x8: {  	s8 =	sand.u32 $0x1, s3;
	s3 =	sadd.s32 $0x2800, s7;
	s6 =	sshll.u32 s1, $0xB  }
0x9: {  	s4 =	sadd.s32 $0x4A00, s7;
	s5 =	sadd.s32 $0x6C00, s7;
	s11 =	sshll.u32 s1, $0xC  }
0xa: {  	_ =	strace $0x8000004D;
	s9 =	sshll.u32 s8, $0xA;
	s10 =	ssub.s32 $0x2, s8  }
0xb: {  	s11 =	sadd.s32 s11, s7;
	s31 =	sshll.u32 s8, $0xB;
	s9 =	sor.u32 s9, s6  }
0xc: {  	s6 =	sadd.s32 $0x8E00, s7;
	s12 =	sshrl.u32 s10, $0x1;
	s9 =	sshrl.u32 s9, $0x3  }
0xd: {  	s10 =	ssub.s32 s10, s12;
	s12 =	sadd.s32 s31, s11;
	s9 =	sadd.s32 s9, s7  }
0xe: {  	s8 =	smax.u32 s10, $0x1;
	s10 =	sadd.s32 $0xAD000, s12;
	s11 =	sadd.s32 $0x9D000, s12  }
0xf: {  	s7 =	sadd.s32 $0x8C000, s9;
	s9 =	sadd.s32 $0xBD000, s12;
	s12 =	sadd.s32 $0x8D000, s12  }
.LBB2_1:
0x10: {  	[tilespmem:s2], [sflag:$0x5] =	stream.linear.gather [hbm4b:s7+s2], $0x400, $0x38;
	[tilespmem:$0x2400] =	vst v63  }
0x11: {  	_ =	swait.ge [sflag:s13], $0x400  }
0x12: {  	[sflag:s13] =	ssyncset.done $0x0  }
0x13: {  	[sflag:s13] =	ssyncadd.s32 $0xFFFFFC00  }
0x14: {  	[tilespmem:s15], [sflag:$0x1] =	stream.indirect.gather [hbm4b:s3+s14], $0x10, s2, s14, $0xb8;
	[tilespmem:$0x2400] =	vst v63  }
0x15: {  	_ = 	snop  }
0x16: {  	[tilespmem:s16], [sflag:$0x2] =	stream.indirect.gather [hbm4b:s4+s14], $0x10, s2, s14, $0xb8;
	[tilespmem:$0x2400] =	vst v63  }
0x17: {  	_ = 	snop  }
0x18: {  	[tilespmem:s17], [sflag:$0x3] =	stream.indirect.gather [hbm4b:s5+s14], $0x10, s2, s14, $0xb8;
	[tilespmem:$0x2400] =	vst v63  }
0x19: {  	_ = 	snop  }
0x1a: {  	[tilespmem:s18], [sflag:$0x4] =	stream.indirect.gather [hbm4b:s6+s14], $0x10, s2, s14, $0xb8;
	[tilespmem:$0x2400] =	vst v63  }
0x1b: {  	_ =	swait.ge [sflag:s19], $0x800  }
0x1c: {  	[sflag:s19] =	ssyncset.done $0x0  }
0x1d: {  	[sflag:s19] =	ssyncadd.s32 $0xFFFFF800  }
0x1e: {  	_ =	swait.ge [sflag:s20], $0x800  }
0x1f: {  	[sflag:s20] =	ssyncset.done $0x0  }
0x20: {  	[sflag:s20] =	ssyncadd.s32 $0xFFFFF800  }
0x21: {  	_ =	swait.ge [sflag:s21], $0x800  }
0x22: {  	[sflag:s21] =	ssyncset.done $0x0  }
0x23: {  	[sflag:s21] =	ssyncadd.s32 $0xFFFFF800  }
0x24: {  	_ =	swait.ge [sflag:s22], $0x800  }
0x25: {  	[sflag:s22] =	ssyncset.done $0x0  }
0x26: {  	s24 =	sadd.s32 $0x0, s12;
	[sflag:s22] =	ssyncadd.s32 $0xFFFFF800  }
0x27: {  	[hbm4b:s24+s2] =	stream.linear.scatter [tilespmem:s15], [sflag:$0x5], $0x800, $0x38;
	[tilespmem:$0x2400] =	vst v63  }
0x28: {  	_ =	swait.ge [sflag:s13], $0x800  }
0x29: {  	[sflag:s13] =	ssyncset.done $0x0  }
0x2a: {  	s29 =	sadd.s32 $0x0, s11;
	[sflag:s13] =	ssyncadd.s32 $0xFFFFF800  }
0x2b: {  	[hbm4b:s29+s2] =	stream.linear.scatter [tilespmem:s16], [sflag:$0x5], $0x800, $0x38;
	[tilespmem:$0x2400] =	vst v63  }
0x2c: {  	_ =	swait.ge [sflag:s13], $0x800  }
0x2d: {  	[sflag:s13] =	ssyncset.done $0x0  }
0x2e: {  	s30 =	sadd.s32 $0x0, s10;
	[sflag:s13] =	ssyncadd.s32 $0xFFFFF800  }
0x2f: {  	[hbm4b:s30+s2] =	stream.linear.scatter [tilespmem:s17], [sflag:$0x5], $0x800, $0x38;
	[tilespmem:$0x2400] =	vst v63  }
0x30: {  	_ =	swait.ge [sflag:s13], $0x800  }
0x31: {  	[sflag:s13] =	ssyncset.done $0x0  }
0x32: {  	s31 =	sadd.s32 $0x0, s9;
	[sflag:s13] =	ssyncadd.s32 $0xFFFFF800  }
0x33: {  	[hbm4b:s31+s2] =	stream.linear.scatter [tilespmem:s18], [sflag:$0x5], $0x800, $0x38;
	[tilespmem:$0x2400] =	vst v63  }
0x34: {  	_ =	swait.ge [sflag:s13], $0x800  }
0x35: {  	s25 =	simm.s32 $0x0;
	s24 =	simm.s32 $0x100;
	[sflag:s13] =	ssyncset.done $0x0  }
.LBB2_2:
0x36: {  	p0 =	sne.s32 s24, $0x700;
	[sflag:s13] =	ssyncadd.s32 $0xFFFFF800;
	s25 =	sadd.s32 $0x80, s25  }
0x37: {  	[tilespmem:s15], [sflag:$0x1] =	stream.indirect.gather [hbm4b:s3+s14], $0x10, s25, s14, $0xb8;
	[tilespmem:$0x2400] =	vst v63  }
0x38: {  	s26 =	smov.u32 s24;
	s24 =	sadd.s32 $0x100, s24  }
0x39: {  	[tilespmem:s16], [sflag:$0x2] =	stream.indirect.gather [hbm4b:s4+s14], $0x10, s25, s14, $0xb8;
	[tilespmem:$0x2400] =	vst v63  }
0x3a: {  	_ = 	snop  }
0x3b: {  	[tilespmem:s17], [sflag:$0x3] =	stream.indirect.gather [hbm4b:s5+s14], $0x10, s25, s14, $0xb8;
	[tilespmem:$0x2400] =	vst v63  }
0x3c: {  	_ = 	snop  }
0x3d: {  	[tilespmem:s18], [sflag:$0x4] =	stream.indirect.gather [hbm4b:s6+s14], $0x10, s25, s14, $0xb8;
	[tilespmem:$0x2400] =	vst v63  }
0x3e: {  	_ =	swait.ge [sflag:s19], $0x800  }
0x3f: {  	[sflag:s19] =	ssyncset.done $0x0  }
0x40: {  	[sflag:s19] =	ssyncadd.s32 $0xFFFFF800  }
0x41: {  	_ =	swait.ge [sflag:s20], $0x800  }
0x42: {  	[sflag:s20] =	ssyncset.done $0x0  }
0x43: {  	[sflag:s20] =	ssyncadd.s32 $0xFFFFF800  }
0x44: {  	_ =	swait.ge [sflag:s21], $0x800  }
0x45: {  	[sflag:s21] =	ssyncset.done $0x0  }
0x46: {  	[sflag:s21] =	ssyncadd.s32 $0xFFFFF800  }
0x47: {  	_ =	swait.ge [sflag:s22], $0x800  }
0x48: {  	[sflag:s22] =	ssyncset.done $0x0  }
0x49: {  	s28 =	sadd.s32 s26, s12;
	[sflag:s22] =	ssyncadd.s32 $0xFFFFF800  }
0x4a: {  	[hbm4b:s28+s2] =	stream.linear.scatter [tilespmem:s15], [sflag:$0x5], $0x800, $0x38;
	[tilespmem:$0x2400] =	vst v63  }
0x4b: {  	_ =	swait.ge [sflag:s13], $0x800  }
0x4c: {  	[sflag:s13] =	ssyncset.done $0x0  }
0x4d: {  	s28 =	sadd.s32 s26, s11;
	[sflag:s13] =	ssyncadd.s32 $0xFFFFF800  }
0x4e: {  	[hbm4b:s28+s2] =	stream.linear.scatter [tilespmem:s16], [sflag:$0x5], $0x800, $0x38;
	[tilespmem:$0x2400] =	vst v63  }
0x4f: {  	_ =	swait.ge [sflag:s13], $0x800  }
0x50: {  	[sflag:s13] =	ssyncset.done $0x0  }
0x51: {  	s28 =	sadd.s32 s26, s10;
	[sflag:s13] =	ssyncadd.s32 $0xFFFFF800  }
0x52: {  	[hbm4b:s28+s2] =	stream.linear.scatter [tilespmem:s17], [sflag:$0x5], $0x800, $0x38;
	[tilespmem:$0x2400] =	vst v63  }
0x53: {  	_ =	swait.ge [sflag:s13], $0x800  }
.Ltmp0:
0x54: {  	[sflag:s13] =	ssyncset.done $0x0;
	(pc) =	sbr.rel @p0 .LBB2_2-.Ltmp0, $4  }
0x55: {  	s26 =	sadd.s32 s26, s9;
	[sflag:s13] =	ssyncadd.s32 $0xFFFFF800  }
0x56: {  	[hbm4b:s26+s2] =	stream.linear.scatter [tilespmem:s18], [sflag:$0x5], $0x800, $0x38;
	[tilespmem:$0x2400] =	vst v63  }
0x57: {  	_ =	swait.ge [sflag:s13], $0x800  }
0x58: {  	[sflag:s13] =	ssyncset.done $0x0  }
0x59: {  	s23 =	sadd.s32 $0x1, s23  }
0x5a: {  	p0 =	sne.s32 s23, s8  }
.Ltmp1:
0x5b: {  	_ = 	snop;
	(pc) =	sbr.rel @p0 .LBB2_1-.Ltmp1, $2  }
0x5c: {  	_ =	sdelay $0x2  }
0x5d: {  	[sflag:s13] =	ssyncadd.s32 $0xFFFFF800  }
0x5e: {  	_ =	sfence.sel $0x180000  }
0x5f: {  	[bflag:$0x0] =	sbarrier.arrive $0xFFFF  }
0x60: {  	p0 =	sne.s32 s1, $0x0;
	_ =	strace $0x9000004D  }
0x61: {  	s0 =	sadd.s32 @!p0 $0x100000, s0;
	[bflag:$0x2] =	sbarrier.arrive $0xFFFF  }
0x62: {  	[sflag:s0] =	ssyncadd.tile.s32 @!p0 $0x1;
	_ =	shalt  }
.Lfunc_end2:
_tile_overlayer_lowered:
.L_overlay_start_2:
0x63: {  	(tag) =	ssettag $0x2  }
0x64: {  	s0 =	rddreg [dreg:$0x0];
	s2 =	stileid.u32  }
0x65: {  	s1 =	rddreg [dreg:$0x1];
	p0 =	sne.s32 s2, $0x0  }
0x66: {  	s3 =	rddreg [dreg:$0x2];
	[bflag:$0x3] =	sbarrier.arrive $0xFFFF;
	s2 =	simm.s32 @!p0 $0x1C05  }
0x67: {  	[timem:s3], [sflag:s2] =	dma.local @!p0 [hbm:s0], s1  }
0x68: {  	s0 =	simm.s32 @!p0 $0x5  }
0x69: {  	_ =	swait.ge @!p0 [sflag:s0], s1  }
0x6a: {  	s1 =	ssub.s32 @!p0 $0x0, s1;
	[sflag:s0] =	ssyncset.done @!p0 $0x0  }
0x6b: {  	[sflag:s0] =	ssyncadd.s32 @!p0 s1  }
0x6c: {  	[bflag:$0x3] =	sbarrier.arrive $0xFFFF  }
0x6d: {  	_ =	shalt  }

// kernel: kernel.16.cloned.1.call-start
scs
__scs_entry_jumppad:
0x0: {  	(pc) =	sbr.rel $0x88, $3  }
0x1: {  	(tag) =	ssettag $0x0;
	lr =	simm.s32 $0x1  }
0x2: {  	[smem:$0x3F9D] =	sst lr;
	_ =	strace $0xD0000000  }
0x3: {  	_ = 	snop  }
0x4: {  	_ = 	snop  }
0x5: {  	_ = 	snop  }
0x6: {  	_ = 	snop  }
0x7: {  	_ = 	snop  }
__scs_overlays_trampoline_lowered:
0x8: {  	[smem:$0x3FAC] =	sst s0  }
0x9: {  	[smem:$0x3FAD] =	sst s1  }
0xa: {  	[smem:$0x3FAE] =	sst s2  }
0xb: {  	[smem:$0x3FAF] =	sst s3  }
0xc: {  	[smem:$0x3FB0] =	sst s4  }
0xd: {  	[smem:$0x3FB1] =	sst s5  }
0xe: {  	[smem:$0x3FB2] =	sst s6  }
0xf: {  	[smem:$0x3FB3] =	sst s7  }
0x10: {  	[smem:$0x3FB4] =	sst s8  }
0x11: {  	[smem:$0x3FB5] =	sst s9;
	s0 =	simm.s32 @!p0 $0x0  }
0x12: {  	s1 =	sld [smem:$0x3F9B];
	s0 =	simm.s32 @p0 $0x1  }
0x13: {  	[smem:$0x3FB6] =	sst s0;
	s0 =	simm.s32 @!p1 $0x0  }
0x14: {  	s2 =	sld [smem:$0x3F9A];
	s0 =	simm.s32 @p1 $0x1  }
0x15: {  	[smem:$0x3FB7] =	sst s0;
	s0 =	simm.s32 @!p2 $0x0  }
0x16: {  	s3 =	sld [smem:$0x3FDB];
	s0 =	simm.s32 @p2 $0x1  }
0x17: {  	s4 =	simm.s32 $0x1BF5;
	[smem:$0x3FB9] =	sst s0  }
0x18: {  	s0 =	sld [smem:$0x3F9C];
	_ =	swait.ge [sflag:s4], $0x0  }
0x19: {  	s7 =	sld [smem:$0x3F9D]  }
0x1a: {  	s8 =	sadd.s32 $0xFFFFE003, lr  }
0x1b: {  	s9 =	sadd.s32 $0xFFFFFEF7, lr;
	s5 =	simm.s32 $0xFFFFFFFF;
	p2 =	slt.u32 s8, $0xFFFFF086  }
0x1c: {  	p1 =	slt.u32 s9, $0xF7A;
	s5 =	simm.s32 @!p2 $0x0  }
0x1d: {  	s5 =	simm.s32 @p1 $0x1;
	p0 =	seq.s32 s7, s2  }
0x1e: {  	s7 =	smul.u32 @!p0 $0xF7A, s2;
	p2 =	seq.s32 @!p0 s5, $0x0  }
0x1f: {  	s9 =	smul.u32 $0xF7A, s1;
	s8 =	simm.s32 @!p0 $0x1BF5;
	p2 =	por !p2, p0  }
0x20: {  	[sflag:s8] =	ssyncset.s32 @!p0 $0xFFFFF086;
	s6 =	sadd.s32 @!p0 s3, s7;
	s7 =	simm.s32 @!p0 $0x108  }
0x21: {  	s3 =	sadd.s32 s3, s9;
	s6 =	sadd.s32 @!p0 $0x88, s6;
	s7 =	simm.s32 @p2 $0x1082  }
0x22: {  	[simem:s7], [sflag:s8] =	dma.local @!p0 [hbm:s6], $0xF7A  }
0x23: {  	s9 =	sor.u32 $0xD0000000, s2;
	s6 =	simm.s32 $0x108;
	_ =	swait.ge @!p0 [sflag:s8], $0x0  }
0x24: {  	s3 =	sadd.s32 $0x88, s3;
	s6 =	simm.s32 @!p1 $0x1082;
	[sflag:s4] =	ssyncset.s32 $0xFFFFF086  }
0x25: {  	[simem:s6], [sflag:s4] =	dma.local [hbm:s3], $0xF7A  }
0x26: {  	[smem:$0x3F9D] =	sst s1;
	(tag) =	ssettag s2;
	_ =	strace s9  }
0x27: {  	s1 =	sld [smem:$0x3FAD]  }
0x28: {  	s2 =	sld [smem:$0x3FAE]  }
0x29: {  	s4 =	sld [smem:$0x3FB0]  }
0x2a: {  	p0 =	seq.s32 s5, $0x0;
	s5 =	sld [smem:$0x3FB1]  }
0x2b: {  	s6 =	sld [smem:$0x3FB2]  }
0x2c: {  	s7 =	sld [smem:$0x3FB3]  }
0x2d: {  	s3 =	simm.s32 $0x108;
	s8 =	sld [smem:$0x3FB4]  }
0x2e: {  	s3 =	simm.s32 @!p0 $0x1082;
	s9 =	sld [smem:$0x3FB5]  }
0x2f: {  	lr =	sadd.s32 s0, s3;
	s0 =	sld [smem:$0x3FAC]  }
0x30: {  	s3 =	sld [smem:$0x3FAF]  }
0x31: {  	[smem:$0x3FB8] =	sst s10  }
0x32: {  	s10 =	sld [smem:$0x3FB6];
	_ =	sdelay $0x3  }
0x33: {  	p0 =	seq.s32 s10, $0x1;
	s10 =	sld [smem:$0x3FB8];
	_ =	sdelay $0x3  }
0x34: {  	[smem:$0x3FB8] =	sst s10  }
0x35: {  	s10 =	sld [smem:$0x3FB7];
	_ =	sdelay $0x3  }
0x36: {  	p1 =	seq.s32 s10, $0x1;
	s10 =	sld [smem:$0x3FB8];
	_ =	sdelay $0x3  }
0x37: {  	[smem:$0x3FB8] =	sst s10  }
0x38: {  	s10 =	sld [smem:$0x3FB9]  }
0x39: {  	_ = 	snop;
	(pc) =	sbr.ind lr, $3  }
0x3a: {  	_ = 	snop  }
0x3b: {  	_ = 	snop  }
0x3c: {  	p2 =	seq.s32 s10, $0x1;
	s10 =	sld [smem:$0x3FB8]  }
0x3d: {  	_ =	shalt  }
0x3e: {  	_ =	shalt  }
0x3f: {  	_ =	shalt  }
0x40: {  	_ =	shalt  }
0x41: {  	_ =	shalt  }
0x42: {  	_ =	shalt  }
0x43: {  	_ =	shalt  }
0x44: {  	_ =	shalt  }
0x45: {  	_ =	shalt  }
0x46: {  	_ =	shalt  }
0x47: {  	_ =	shalt  }
0x48: {  	_ =	shalt  }
0x49: {  	_ =	shalt  }
0x4a: {  	_ =	shalt  }
0x4b: {  	_ =	shalt  }
0x4c: {  	_ =	shalt  }
0x4d: {  	_ =	shalt  }
0x4e: {  	_ =	shalt  }
0x4f: {  	_ =	shalt  }
0x50: {  	_ =	shalt  }
0x51: {  	_ =	shalt  }
0x52: {  	_ =	shalt  }
0x53: {  	_ =	shalt  }
0x54: {  	_ =	shalt  }
0x55: {  	_ =	shalt  }
0x56: {  	_ =	shalt  }
0x57: {  	_ =	shalt  }
0x58: {  	_ =	shalt  }
0x59: {  	_ =	shalt  }
0x5a: {  	_ =	shalt  }
0x5b: {  	_ =	shalt  }
0x5c: {  	_ =	shalt  }
0x5d: {  	_ =	shalt  }
0x5e: {  	_ =	shalt  }
0x5f: {  	_ =	shalt  }
0x60: {  	_ =	shalt  }
0x61: {  	_ =	shalt  }
0x62: {  	_ =	shalt  }
0x63: {  	_ =	shalt  }
0x64: {  	_ =	shalt  }
0x65: {  	_ =	shalt  }
0x66: {  	_ =	shalt  }
0x67: {  	_ =	shalt  }
0x68: {  	_ =	shalt  }
0x69: {  	_ =	shalt  }
0x6a: {  	_ =	shalt  }
0x6b: {  	_ =	shalt  }
0x6c: {  	_ =	shalt  }
0x6d: {  	_ =	shalt  }
0x6e: {  	_ =	shalt  }
0x6f: {  	_ =	shalt  }
0x70: {  	_ =	shalt  }
0x71: {  	_ =	shalt  }
0x72: {  	_ =	shalt  }
0x73: {  	_ =	shalt  }
0x74: {  	_ =	shalt  }
0x75: {  	_ =	shalt  }
0x76: {  	_ =	shalt  }
0x77: {  	_ =	shalt  }
0x78: {  	_ =	shalt  }
0x79: {  	_ =	shalt  }
0x7a: {  	_ =	shalt  }
0x7b: {  	_ =	shalt  }
0x7c: {  	_ =	shalt  }
0x7d: {  	_ =	shalt  }
0x7e: {  	_ =	shalt  }
0x7f: {  	_ =	shalt  }
0x80: {  	_ =	shalt  }
0x81: {  	_ =	shalt  }
0x82: {  	_ =	shalt  }
0x83: {  	_ =	shalt  }
0x84: {  	_ =	shalt  }
0x85: {  	_ =	shalt  }
0x86: {  	_ =	shalt  }
0x87: {  	_ =	shalt  }
.Lfunc_end0:
.L_simem_size_0:
called_computation.2_lowered:
.L_overlay_start_0:
0x88: {  	s2 =	sld [smem:$0x3FD9]  }
0x89: {  	s3 =	sld [smem:$0x3FFE];
	_ =	sdelay $0x1  }
0x8a: {  	s1 =	srdreg.scid  }
0x8b: {  	s0 =	sand.u32 $0x1, s1  }
0x8c: {  	s17 =	sshll.u32 s0, $0xA;
	s2 =	sadd.s32 s3, s2  }
0x8d: {  	s2 =	sadd.s32 s2, s17  }
0x8e: {  	[smem:$0x3FC4] =	sst s2  }
0x8f: {  	_ = 	snop  }
0x90: {  	(tm) =	ssettm $0x1  }
0x91: {  	s18 =	sld [smem:$0x3FFB];
	_ =	sdelay $0x3  }
0x92: {  	_ =	strace s18  }
0x93: {  	s2 =	sld [smem:$0x3FFC];
	_ =	sdelay $0x3  }
0x94: {  	_ =	strace s2  }
0x95: {  	s2 =	sld [smem:$0x3FFD];
	_ =	sdelay $0x3  }
0x96: {  	_ =	strace s2  }
0x97: {  	_ =	strace $0x8FFFFFFF  }
0x98: {  	s19 =	sld [smem:$0x3FDB];
	_ =	sdelay $0x1  }
0x99: {  	s20 =	simm.s32 $_scs_section_size  }
0x9a: {  	s4 =	simm.s32 $_size__tile_overlayer_lowered;
	s5 =	simm.s32 $_tile_overlayer_lowered  }
0x9b: {  	s6 =	simm.s32 $0x1BFF;
	s21 =	sshll.u32 s5, $0x1;
	s3 =	sadd.s32 s20, s19  }
0x9c: {  	s22 =	simm.s32 $0x0;
	s4 =	sshll.u32 s4, $0x1;
	s5 =	sadd.s32 s21, s3  }
0x9d: {  	[timem:s22], [sflag:s6] =	dma.local [hbm:s5], s4  }
0x9e: {  	_ =	swait.ge [sflag:s6], s4  }
0x9f: {  	s4 =	ssub.s32 $0x0, s4;
	[sflag:s6] =	ssyncset.done $0x0  }
0xa0: {  	[sflag:s6] =	ssyncadd.s32 s4;
	_ =	sdelay $0x1  }
0xa1: {  	s23 =	simm.s32 $0x1B8B  }
0xa2: {  	_ =	swait.ge [sflag:s23], $0x1  }
0xa3: {  	[sflag:s23] =	ssyncset.done $0x0  }
0xa4: {  	[sflag:s23] =	ssyncadd.s32 $0xFFFFFFFF  }
0xa5: {  	s4 =	sld [smem:$0x0]  }
0xa6: {  	s5 =	sand.u32 $0xFFFFFFFE, s1  }
0xa7: {  	p0 =	sne.s32 s1, s5  }
0xa8: {  	s5 =	sshll.u32 @p0 s5, $0xE  }
0xa9: {  	s5 =	sadd.s32 @p0 $0x11B8D, s5;
	s6 =	sshll.u32 @p0 s4, $0x11  }
0xaa: {  	s5 =	sor.u32 @p0 s6, s5  }
0xab: {  	[sflag:s5] =	ssyncadd.remote.s32 @p0 $0x1;
	_ =	sdelay $0x1  }
0xac: {  	s5 =	simm.s32 @p0 $0x1B8D  }
0xad: {  	_ =	swait.eq @p0 [sflag:s5], $0x1  }
0xae: {  	[sflag:s5] =	ssyncadd.s32 @p0 $0xFFFFFFFF  }
0xaf: {  	s6 =	sshll.u32 @!p0 s1, $0xE  }
0xb0: {  	s6 =	sor.u32 @!p0 $0x4000, s6;
	s5 =	simm.s32 @!p0 $0x1B8D  }
0xb1: {  	s4 =	sshll.u32 @!p0 s4, $0x11;
	s6 =	sadd.s32 @!p0 $0x11B8D, s6;
	_ =	swait.eq @!p0 [sflag:s5], $0x1  }
0xb2: {  	s4 =	sor.u32 @!p0 s4, s6;
	[sflag:s5] =	ssyncadd.s32 @!p0 $0xFFFFFFFF  }
0xb3: {  	s25 =	simm.s32 $0x1B8E;
	s24 =	sld [smem:$0x3FFE];
	[sflag:s4] =	ssyncadd.remote.s32 @!p0 $0x1  }
0xb4: {  	s26 =	simm.s32 $execute0_lowered;
	[smem:$0x3FD2] =	sst s25  }
0xb5: {  	s5 =	sshll.u32 s26, $0x1;
	_ =	strace $0x80000049;
	[dreg:$0x1] =	wrdreg $0xFFFFFFFF  }
0xb6: {  	s28 =	simm.s32 $_size_execute0_lowered;
	s3 =	sadd.s32 s3, s5;
	[dreg:$0x0] =	wrdreg $0x0  }
0xb7: {  	s5 =	sshll.u32 s28, $0x1;
	[dreg:$0x2] =	wrdreg s3  }
0xb8: {  	[dreg:$0x3] =	wrdreg s5  }
0xb9: {  	[dreg:$0x4] =	wrdreg $0xC0  }
0xba: {  	_ =	task [dreg:s22], $0x5FFFF  }
0xbb: {  	[dreg:$0x1] =	wrdreg $0xFFFFFFFF  }
0xbc: {  	[dreg:$0x0] =	wrdreg $0x60  }
0xbd: {  	[dreg:$0x2] =	wrdreg s24  }
0xbe: {  	[dreg:$0x3] =	wrdreg $0xB  }
0xbf: {  	_ =	task.clear_ibuf [dreg:s22], $0x4FFFF;
	_ =	strace $0x90000049  }
0xc0: {  	s29 =	simm.s32 $0xB;
	_ =	strace $0x8000004B  }
0xc1: {  	_ =	swait.ge [sflag:s29], $0x1  }
0xc2: {  	[sflag:s29] =	ssyncadd.s32 $0xFFFFFFFF  }
0xc3: {  	_ =	strace $0x9000004B  }
0xc4: {  	_ =	sfence  }
0xc5: {  	s30 =	sld [smem:$0x0];
	_ =	sdelay $0x2  }
0xc6: {  	s31 =	sshll.u32 s1, $0xD;
	s1 =	sshrl.u32 s1, $0x2  }
0xc7: {  	s4 =	sand.u32 $0x4000, s31;
	s1 =	sadd.s32 s1, s30  }
0xc8: {  	s0 =	sor.u32 s4, s0;
	s1 =	sshll.u32 s1, $0x11  }
0xc9: {  	s0 =	sor.u32 s1, s0  }
0xca: {  	s0 =	sadd.s32 $0x8F2B, s0  }
0xcb: {  	[sflag:s0] =	ssyncadd.remote.s32 $0x1  }
0xcc: {  	_ =	sfence.sel $0xFFFF  }
0xcd: {  	[dreg:$0x0] =	wrdreg $0xFFFFFFFF;
	(pc) =	sbr.abs _section_cstart, $3  }
0xce: {  	[dreg:$0x1] =	wrdreg $0xFFFFFFFF  }
0xcf: {  	_ =	task.clear_ibuf [dreg:s22], $0x2FFFF;
	_ =	strace $0x9FFFFFFF  }
0xd0: {  	(tm) =	ssettm $0x7FFFFFFF  }
0xd1: {  	_ =	shalt  }
tec
execute0_lowered:
.L_overlay_start_1:
0x0: {  	(tag) =	ssettag $0x1  }
0x1: {  	s7 =	rddreg [dreg:$0x0]  }
0x2: {  	s0 =	rddreg [dreg:$0x1]  }
0x3: {  	s2 =	simm.s32 $0x0;
	s3 =	srdreg.scid;
	s1 =	stileid.u32  }
0x4: {  	s13 =	simm.s32 $0x5;
	s14 =	simm.s32 $0x80;
	s15 =	simm.s32 $0x400  }
0x5: {  	s16 =	simm.s32 $0xC00;
	s17 =	simm.s32 $0x1400;
	s18 =	simm.s32 $0x1C00  }
0x6: {  	s19 =	simm.s32 $0x1;
	s20 =	simm.s32 $0x2;
	s21 =	simm.s32 $0x3  }
0x7: {  	s22 =	simm.s32 $0x4;
	s23 =	simm.s32 $0x0;
	[smem:$0x7FF] =	sst s2  }
0x8: {  	s8 =	sand.u32 $0x1, s3;
	s3 =	sadd.s32 $0x2800, s7;
	s6 =	sshll.u32 s1, $0xB  }
0x9: {  	s4 =	sadd.s32 $0x4A00, s7;
	s5 =	sadd.s32 $0x6C00, s7;
	s11 =	sshll.u32 s1, $0xC  }
0xa: {  	_ =	strace $0x8000004A;
	s9 =	sshll.u32 s8, $0xA;
	s10 =	ssub.s32 $0x2, s8  }
0xb: {  	s11 =	sadd.s32 s11, s7;
	s31 =	sshll.u32 s8, $0xB;
	s9 =	sor.u32 s9, s6  }
0xc: {  	s6 =	sadd.s32 $0x8E00, s7;
	s12 =	sshrl.u32 s10, $0x1;
	s9 =	sshrl.u32 s9, $0x3  }
0xd: {  	s10 =	ssub.s32 s10, s12;
	s12 =	sadd.s32 s31, s11;
	s9 =	sadd.s32 s9, s7  }
0xe: {  	s8 =	smax.u32 s10, $0x1;
	s10 =	sadd.s32 $0x6C000, s12;
	s11 =	sadd.s32 $0x5C000, s12  }
0xf: {  	s7 =	sadd.s32 $0x4B000, s9;
	s9 =	sadd.s32 $0x7C000, s12;
	s12 =	sadd.s32 $0x4C000, s12  }
.LBB2_1:
0x10: {  	[tilespmem:s2], [sflag:$0x5] =	stream.linear.gather [hbm4b:s7+s2], $0x400, $0x38;
	[tilespmem:$0x2400] =	vst v63  }
0x11: {  	_ =	swait.ge [sflag:s13], $0x400  }
0x12: {  	[sflag:s13] =	ssyncset.done $0x0  }
0x13: {  	[sflag:s13] =	ssyncadd.s32 $0xFFFFFC00  }
0x14: {  	[tilespmem:s15], [sflag:$0x1] =	stream.indirect.gather [hbm4b:s3+s14], $0x10, s2, s14, $0xb8;
	[tilespmem:$0x2400] =	vst v63  }
0x15: {  	_ = 	snop  }
0x16: {  	[tilespmem:s16], [sflag:$0x2] =	stream.indirect.gather [hbm4b:s4+s14], $0x10, s2, s14, $0xb8;
	[tilespmem:$0x2400] =	vst v63  }
0x17: {  	_ = 	snop  }
0x18: {  	[tilespmem:s17], [sflag:$0x3] =	stream.indirect.gather [hbm4b:s5+s14], $0x10, s2, s14, $0xb8;
	[tilespmem:$0x2400] =	vst v63  }
0x19: {  	_ = 	snop  }
0x1a: {  	[tilespmem:s18], [sflag:$0x4] =	stream.indirect.gather [hbm4b:s6+s14], $0x10, s2, s14, $0xb8;
	[tilespmem:$0x2400] =	vst v63  }
0x1b: {  	_ =	swait.ge [sflag:s19], $0x800  }
0x1c: {  	[sflag:s19] =	ssyncset.done $0x0  }
0x1d: {  	[sflag:s19] =	ssyncadd.s32 $0xFFFFF800  }
0x1e: {  	_ =	swait.ge [sflag:s20], $0x800  }
0x1f: {  	[sflag:s20] =	ssyncset.done $0x0  }
0x20: {  	[sflag:s20] =	ssyncadd.s32 $0xFFFFF800  }
0x21: {  	_ =	swait.ge [sflag:s21], $0x800  }
0x22: {  	[sflag:s21] =	ssyncset.done $0x0  }
0x23: {  	[sflag:s21] =	ssyncadd.s32 $0xFFFFF800  }
0x24: {  	_ =	swait.ge [sflag:s22], $0x800  }
0x25: {  	[sflag:s22] =	ssyncset.done $0x0  }
0x26: {  	s24 =	sadd.s32 $0x0, s12;
	[sflag:s22] =	ssyncadd.s32 $0xFFFFF800  }
0x27: {  	[hbm4b:s24+s2] =	stream.linear.scatter [tilespmem:s15], [sflag:$0x5], $0x800, $0x38;
	[tilespmem:$0x2400] =	vst v63  }
0x28: {  	_ =	swait.ge [sflag:s13], $0x800  }
0x29: {  	[sflag:s13] =	ssyncset.done $0x0  }
0x2a: {  	s29 =	sadd.s32 $0x0, s11;
	[sflag:s13] =	ssyncadd.s32 $0xFFFFF800  }
0x2b: {  	[hbm4b:s29+s2] =	stream.linear.scatter [tilespmem:s16], [sflag:$0x5], $0x800, $0x38;
	[tilespmem:$0x2400] =	vst v63  }
0x2c: {  	_ =	swait.ge [sflag:s13], $0x800  }
0x2d: {  	[sflag:s13] =	ssyncset.done $0x0  }
0x2e: {  	s30 =	sadd.s32 $0x0, s10;
	[sflag:s13] =	ssyncadd.s32 $0xFFFFF800  }
0x2f: {  	[hbm4b:s30+s2] =	stream.linear.scatter [tilespmem:s17], [sflag:$0x5], $0x800, $0x38;
	[tilespmem:$0x2400] =	vst v63  }
0x30: {  	_ =	swait.ge [sflag:s13], $0x800  }
0x31: {  	[sflag:s13] =	ssyncset.done $0x0  }
0x32: {  	s31 =	sadd.s32 $0x0, s9;
	[sflag:s13] =	ssyncadd.s32 $0xFFFFF800  }
0x33: {  	[hbm4b:s31+s2] =	stream.linear.scatter [tilespmem:s18], [sflag:$0x5], $0x800, $0x38;
	[tilespmem:$0x2400] =	vst v63  }
0x34: {  	_ =	swait.ge [sflag:s13], $0x800  }
0x35: {  	s25 =	simm.s32 $0x0;
	s24 =	simm.s32 $0x100;
	[sflag:s13] =	ssyncset.done $0x0  }
.LBB2_2:
0x36: {  	p0 =	sne.s32 s24, $0x700;
	[sflag:s13] =	ssyncadd.s32 $0xFFFFF800;
	s25 =	sadd.s32 $0x80, s25  }
0x37: {  	[tilespmem:s15], [sflag:$0x1] =	stream.indirect.gather [hbm4b:s3+s14], $0x10, s25, s14, $0xb8;
	[tilespmem:$0x2400] =	vst v63  }
0x38: {  	s26 =	smov.u32 s24;
	s24 =	sadd.s32 $0x100, s24  }
0x39: {  	[tilespmem:s16], [sflag:$0x2] =	stream.indirect.gather [hbm4b:s4+s14], $0x10, s25, s14, $0xb8;
	[tilespmem:$0x2400] =	vst v63  }
0x3a: {  	_ = 	snop  }
0x3b: {  	[tilespmem:s17], [sflag:$0x3] =	stream.indirect.gather [hbm4b:s5+s14], $0x10, s25, s14, $0xb8;
	[tilespmem:$0x2400] =	vst v63  }
0x3c: {  	_ = 	snop  }
0x3d: {  	[tilespmem:s18], [sflag:$0x4] =	stream.indirect.gather [hbm4b:s6+s14], $0x10, s25, s14, $0xb8;
	[tilespmem:$0x2400] =	vst v63  }
0x3e: {  	_ =	swait.ge [sflag:s19], $0x800  }
0x3f: {  	[sflag:s19] =	ssyncset.done $0x0  }
0x40: {  	[sflag:s19] =	ssyncadd.s32 $0xFFFFF800  }
0x41: {  	_ =	swait.ge [sflag:s20], $0x800  }
0x42: {  	[sflag:s20] =	ssyncset.done $0x0  }
0x43: {  	[sflag:s20] =	ssyncadd.s32 $0xFFFFF800  }
0x44: {  	_ =	swait.ge [sflag:s21], $0x800  }
0x45: {  	[sflag:s21] =	ssyncset.done $0x0  }
0x46: {  	[sflag:s21] =	ssyncadd.s32 $0xFFFFF800  }
0x47: {  	_ =	swait.ge [sflag:s22], $0x800  }
0x48: {  	[sflag:s22] =	ssyncset.done $0x0  }
0x49: {  	s28 =	sadd.s32 s26, s12;
	[sflag:s22] =	ssyncadd.s32 $0xFFFFF800  }
0x4a: {  	[hbm4b:s28+s2] =	stream.linear.scatter [tilespmem:s15], [sflag:$0x5], $0x800, $0x38;
	[tilespmem:$0x2400] =	vst v63  }
0x4b: {  	_ =	swait.ge [sflag:s13], $0x800  }
0x4c: {  	[sflag:s13] =	ssyncset.done $0x0  }
0x4d: {  	s28 =	sadd.s32 s26, s11;
	[sflag:s13] =	ssyncadd.s32 $0xFFFFF800  }
0x4e: {  	[hbm4b:s28+s2] =	stream.linear.scatter [tilespmem:s16], [sflag:$0x5], $0x800, $0x38;
	[tilespmem:$0x2400] =	vst v63  }
0x4f: {  	_ =	swait.ge [sflag:s13], $0x800  }
0x50: {  	[sflag:s13] =	ssyncset.done $0x0  }
0x51: {  	s28 =	sadd.s32 s26, s10;
	[sflag:s13] =	ssyncadd.s32 $0xFFFFF800  }
0x52: {  	[hbm4b:s28+s2] =	stream.linear.scatter [tilespmem:s17], [sflag:$0x5], $0x800, $0x38;
	[tilespmem:$0x2400] =	vst v63  }
0x53: {  	_ =	swait.ge [sflag:s13], $0x800  }
.Ltmp0:
0x54: {  	[sflag:s13] =	ssyncset.done $0x0;
	(pc) =	sbr.rel @p0 .LBB2_2-.Ltmp0, $4  }
0x55: {  	s26 =	sadd.s32 s26, s9;
	[sflag:s13] =	ssyncadd.s32 $0xFFFFF800  }
0x56: {  	[hbm4b:s26+s2] =	stream.linear.scatter [tilespmem:s18], [sflag:$0x5], $0x800, $0x38;
	[tilespmem:$0x2400] =	vst v63  }
0x57: {  	_ =	swait.ge [sflag:s13], $0x800  }
0x58: {  	[sflag:s13] =	ssyncset.done $0x0  }
0x59: {  	s23 =	sadd.s32 $0x1, s23  }
0x5a: {  	p0 =	sne.s32 s23, s8  }
.Ltmp1:
0x5b: {  	_ = 	snop;
	(pc) =	sbr.rel @p0 .LBB2_1-.Ltmp1, $2  }
0x5c: {  	_ =	sdelay $0x2  }
0x5d: {  	[sflag:s13] =	ssyncadd.s32 $0xFFFFF800  }
0x5e: {  	_ =	sfence.sel $0x180000  }
0x5f: {  	[bflag:$0x0] =	sbarrier.arrive $0xFFFF  }
0x60: {  	p0 =	sne.s32 s1, $0x0;
	_ =	strace $0x9000004A  }
0x61: {  	s0 =	sadd.s32 @!p0 $0x100000, s0;
	[bflag:$0x2] =	sbarrier.arrive $0xFFFF  }
0x62: {  	[sflag:s0] =	ssyncadd.tile.s32 @!p0 $0x1;
	_ =	shalt  }
.Lfunc_end2:
_tile_overlayer_lowered:
.L_overlay_start_2:
0x63: {  	(tag) =	ssettag $0x2  }
0x64: {  	s0 =	rddreg [dreg:$0x0];
	s2 =	stileid.u32  }
0x65: {  	s1 =	rddreg [dreg:$0x1];
	p0 =	sne.s32 s2, $0x0  }
0x66: {  	s3 =	rddreg [dreg:$0x2];
	[bflag:$0x3] =	sbarrier.arrive $0xFFFF;
	s2 =	simm.s32 @!p0 $0x1C05  }
0x67: {  	[timem:s3], [sflag:s2] =	dma.local @!p0 [hbm:s0], s1  }
0x68: {  	s0 =	simm.s32 @!p0 $0x5  }
0x69: {  	_ =	swait.ge @!p0 [sflag:s0], s1  }
0x6a: {  	s1 =	ssub.s32 @!p0 $0x0, s1;
	[sflag:s0] =	ssyncset.done @!p0 $0x0  }
0x6b: {  	[sflag:s0] =	ssyncadd.s32 @!p0 s1  }
0x6c: {  	[bflag:$0x3] =	sbarrier.arrive $0xFFFF  }
0x6d: {  	_ =	shalt  }

// kernel: kernel.19.cloned.1.call-start
scs
__scs_entry_jumppad:
0x0: {  	(pc) =	sbr.rel $0x88, $3  }
0x1: {  	(tag) =	ssettag $0x0;
	lr =	simm.s32 $0x1  }
0x2: {  	[smem:$0x3F9D] =	sst lr;
	_ =	strace $0xD0000000  }
0x3: {  	_ = 	snop  }
0x4: {  	_ = 	snop  }
0x5: {  	_ = 	snop  }
0x6: {  	_ = 	snop  }
0x7: {  	_ = 	snop  }
__scs_overlays_trampoline_lowered:
0x8: {  	[smem:$0x3FAC] =	sst s0  }
0x9: {  	[smem:$0x3FAD] =	sst s1  }
0xa: {  	[smem:$0x3FAE] =	sst s2  }
0xb: {  	[smem:$0x3FAF] =	sst s3  }
0xc: {  	[smem:$0x3FB0] =	sst s4  }
0xd: {  	[smem:$0x3FB1] =	sst s5  }
0xe: {  	[smem:$0x3FB2] =	sst s6  }
0xf: {  	[smem:$0x3FB3] =	sst s7  }
0x10: {  	[smem:$0x3FB4] =	sst s8  }
0x11: {  	[smem:$0x3FB5] =	sst s9;
	s0 =	simm.s32 @!p0 $0x0  }
0x12: {  	s1 =	sld [smem:$0x3F9B];
	s0 =	simm.s32 @p0 $0x1  }
0x13: {  	[smem:$0x3FB6] =	sst s0;
	s0 =	simm.s32 @!p1 $0x0  }
0x14: {  	s2 =	sld [smem:$0x3F9A];
	s0 =	simm.s32 @p1 $0x1  }
0x15: {  	[smem:$0x3FB7] =	sst s0;
	s0 =	simm.s32 @!p2 $0x0  }
0x16: {  	s3 =	sld [smem:$0x3FDB];
	s0 =	simm.s32 @p2 $0x1  }
0x17: {  	s4 =	simm.s32 $0x1BF5;
	[smem:$0x3FB9] =	sst s0  }
0x18: {  	s0 =	sld [smem:$0x3F9C];
	_ =	swait.ge [sflag:s4], $0x0  }
0x19: {  	s7 =	sld [smem:$0x3F9D]  }
0x1a: {  	s8 =	sadd.s32 $0xFFFFE003, lr  }
0x1b: {  	s9 =	sadd.s32 $0xFFFFFEF7, lr;
	s5 =	simm.s32 $0xFFFFFFFF;
	p2 =	slt.u32 s8, $0xFFFFF086  }
0x1c: {  	p1 =	slt.u32 s9, $0xF7A;
	s5 =	simm.s32 @!p2 $0x0  }
0x1d: {  	s5 =	simm.s32 @p1 $0x1;
	p0 =	seq.s32 s7, s2  }
0x1e: {  	s7 =	smul.u32 @!p0 $0xF7A, s2;
	p2 =	seq.s32 @!p0 s5, $0x0  }
0x1f: {  	s9 =	smul.u32 $0xF7A, s1;
	s8 =	simm.s32 @!p0 $0x1BF5;
	p2 =	por !p2, p0  }
0x20: {  	[sflag:s8] =	ssyncset.s32 @!p0 $0xFFFFF086;
	s6 =	sadd.s32 @!p0 s3, s7;
	s7 =	simm.s32 @!p0 $0x108  }
0x21: {  	s3 =	sadd.s32 s3, s9;
	s6 =	sadd.s32 @!p0 $0x88, s6;
	s7 =	simm.s32 @p2 $0x1082  }
0x22: {  	[simem:s7], [sflag:s8] =	dma.local @!p0 [hbm:s6], $0xF7A  }
0x23: {  	s9 =	sor.u32 $0xD0000000, s2;
	s6 =	simm.s32 $0x108;
	_ =	swait.ge @!p0 [sflag:s8], $0x0  }
0x24: {  	s3 =	sadd.s32 $0x88, s3;
	s6 =	simm.s32 @!p1 $0x1082;
	[sflag:s4] =	ssyncset.s32 $0xFFFFF086  }
0x25: {  	[simem:s6], [sflag:s4] =	dma.local [hbm:s3], $0xF7A  }
0x26: {  	[smem:$0x3F9D] =	sst s1;
	(tag) =	ssettag s2;
	_ =	strace s9  }
0x27: {  	s1 =	sld [smem:$0x3FAD]  }
0x28: {  	s2 =	sld [smem:$0x3FAE]  }
0x29: {  	s4 =	sld [smem:$0x3FB0]  }
0x2a: {  	p0 =	seq.s32 s5, $0x0;
	s5 =	sld [smem:$0x3FB1]  }
0x2b: {  	s6 =	sld [smem:$0x3FB2]  }
0x2c: {  	s7 =	sld [smem:$0x3FB3]  }
0x2d: {  	s3 =	simm.s32 $0x108;
	s8 =	sld [smem:$0x3FB4]  }
0x2e: {  	s3 =	simm.s32 @!p0 $0x1082;
	s9 =	sld [smem:$0x3FB5]  }
0x2f: {  	lr =	sadd.s32 s0, s3;
	s0 =	sld [smem:$0x3FAC]  }
0x30: {  	s3 =	sld [smem:$0x3FAF]  }
0x31: {  	[smem:$0x3FB8] =	sst s10  }
0x32: {  	s10 =	sld [smem:$0x3FB6];
	_ =	sdelay $0x3  }
0x33: {  	p0 =	seq.s32 s10, $0x1;
	s10 =	sld [smem:$0x3FB8];
	_ =	sdelay $0x3  }
0x34: {  	[smem:$0x3FB8] =	sst s10  }
0x35: {  	s10 =	sld [smem:$0x3FB7];
	_ =	sdelay $0x3  }
0x36: {  	p1 =	seq.s32 s10, $0x1;
	s10 =	sld [smem:$0x3FB8];
	_ =	sdelay $0x3  }
0x37: {  	[smem:$0x3FB8] =	sst s10  }
0x38: {  	s10 =	sld [smem:$0x3FB9]  }
0x39: {  	_ = 	snop;
	(pc) =	sbr.ind lr, $3  }
0x3a: {  	_ = 	snop  }
0x3b: {  	_ = 	snop  }
0x3c: {  	p2 =	seq.s32 s10, $0x1;
	s10 =	sld [smem:$0x3FB8]  }
0x3d: {  	_ =	shalt  }
0x3e: {  	_ =	shalt  }
0x3f: {  	_ =	shalt  }
0x40: {  	_ =	shalt  }
0x41: {  	_ =	shalt  }
0x42: {  	_ =	shalt  }
0x43: {  	_ =	shalt  }
0x44: {  	_ =	shalt  }
0x45: {  	_ =	shalt  }
0x46: {  	_ =	shalt  }
0x47: {  	_ =	shalt  }
0x48: {  	_ =	shalt  }
0x49: {  	_ =	shalt  }
0x4a: {  	_ =	shalt  }
0x4b: {  	_ =	shalt  }
0x4c: {  	_ =	shalt  }
0x4d: {  	_ =	shalt  }
0x4e: {  	_ =	shalt  }
0x4f: {  	_ =	shalt  }
0x50: {  	_ =	shalt  }
0x51: {  	_ =	shalt  }
0x52: {  	_ =	shalt  }
0x53: {  	_ =	shalt  }
0x54: {  	_ =	shalt  }
0x55: {  	_ =	shalt  }
0x56: {  	_ =	shalt  }
0x57: {  	_ =	shalt  }
0x58: {  	_ =	shalt  }
0x59: {  	_ =	shalt  }
0x5a: {  	_ =	shalt  }
0x5b: {  	_ =	shalt  }
0x5c: {  	_ =	shalt  }
0x5d: {  	_ =	shalt  }
0x5e: {  	_ =	shalt  }
0x5f: {  	_ =	shalt  }
0x60: {  	_ =	shalt  }
0x61: {  	_ =	shalt  }
0x62: {  	_ =	shalt  }
0x63: {  	_ =	shalt  }
0x64: {  	_ =	shalt  }
0x65: {  	_ =	shalt  }
0x66: {  	_ =	shalt  }
0x67: {  	_ =	shalt  }
0x68: {  	_ =	shalt  }
0x69: {  	_ =	shalt  }
0x6a: {  	_ =	shalt  }
0x6b: {  	_ =	shalt  }
0x6c: {  	_ =	shalt  }
0x6d: {  	_ =	shalt  }
0x6e: {  	_ =	shalt  }
0x6f: {  	_ =	shalt  }
0x70: {  	_ =	shalt  }
0x71: {  	_ =	shalt  }
0x72: {  	_ =	shalt  }
0x73: {  	_ =	shalt  }
0x74: {  	_ =	shalt  }
0x75: {  	_ =	shalt  }
0x76: {  	_ =	shalt  }
0x77: {  	_ =	shalt  }
0x78: {  	_ =	shalt  }
0x79: {  	_ =	shalt  }
0x7a: {  	_ =	shalt  }
0x7b: {  	_ =	shalt  }
0x7c: {  	_ =	shalt  }
0x7d: {  	_ =	shalt  }
0x7e: {  	_ =	shalt  }
0x7f: {  	_ =	shalt  }
0x80: {  	_ =	shalt  }
0x81: {  	_ =	shalt  }
0x82: {  	_ =	shalt  }
0x83: {  	_ =	shalt  }
0x84: {  	_ =	shalt  }
0x85: {  	_ =	shalt  }
0x86: {  	_ =	shalt  }
0x87: {  	_ =	shalt  }
.Lfunc_end0:
.L_simem_size_0:
called_computation.3_lowered:
.L_overlay_start_0:
0x88: {  	s2 =	sld [smem:$0x3FD9]  }
0x89: {  	s3 =	sld [smem:$0x3FFE];
	_ =	sdelay $0x1  }
0x8a: {  	s1 =	srdreg.scid  }
0x8b: {  	s0 =	sand.u32 $0x1, s1  }
0x8c: {  	s16 =	sshll.u32 s0, $0xA;
	s2 =	sadd.s32 s3, s2  }
0x8d: {  	s2 =	sadd.s32 s2, s16  }
0x8e: {  	[smem:$0x3FC4] =	sst s2  }
0x8f: {  	_ = 	snop  }
0x90: {  	(tm) =	ssettm $0x1  }
0x91: {  	s17 =	sld [smem:$0x3FFB];
	_ =	sdelay $0x3  }
0x92: {  	_ =	strace s17  }
0x93: {  	s2 =	sld [smem:$0x3FFC];
	_ =	sdelay $0x3  }
0x94: {  	_ =	strace s2  }
0x95: {  	s2 =	sld [smem:$0x3FFD];
	_ =	sdelay $0x3  }
0x96: {  	_ =	strace s2  }
0x97: {  	_ =	strace $0x8FFFFFFF  }
0x98: {  	s18 =	sld [smem:$0x3FDB];
	_ =	sdelay $0x1  }
0x99: {  	s19 =	simm.s32 $_scs_section_size  }
0x9a: {  	s4 =	simm.s32 $_size__tile_overlayer_lowered;
	s5 =	simm.s32 $_tile_overlayer_lowered  }
0x9b: {  	s22 =	simm.s32 $0x1BFF;
	s21 =	sshll.u32 s5, $0x1;
	s2 =	sadd.s32 s19, s18  }
0x9c: {  	s6 =	simm.s32 $0x0;
	s20 =	sshll.u32 s4, $0x1;
	s4 =	sadd.s32 s21, s2  }
0x9d: {  	[timem:s6], [sflag:s22] =	dma.local [hbm:s4], s20  }
0x9e: {  	_ =	swait.ge [sflag:s22], s20  }
0x9f: {  	s3 =	ssub.s32 $0x0, s20;
	[sflag:s22] =	ssyncset.done $0x0  }
0xa0: {  	[sflag:s22] =	ssyncadd.s32 s3;
	_ =	sdelay $0x1  }
0xa1: {  	s23 =	simm.s32 $0x1B8B  }
0xa2: {  	_ =	swait.ge [sflag:s23], $0x1  }
0xa3: {  	[sflag:s23] =	ssyncset.done $0x0  }
0xa4: {  	s25 =	simm.s32 $0x1B8E;
	s24 =	sld [smem:$0x3FFE];
	[sflag:s23] =	ssyncadd.s32 $0xFFFFFFFF  }
0xa5: {  	s26 =	simm.s32 $execute0_lowered;
	[smem:$0x3FD2] =	sst s25  }
0xa6: {  	s4 =	sshll.u32 s26, $0x1;
	_ =	strace $0x80000046;
	[dreg:$0x1] =	wrdreg $0xFFFFFFFF  }
0xa7: {  	s28 =	simm.s32 $_size_execute0_lowered;
	s2 =	sadd.s32 s2, s4;
	[dreg:$0x0] =	wrdreg $0x0  }
0xa8: {  	s4 =	sshll.u32 s28, $0x1;
	[dreg:$0x2] =	wrdreg s2  }
0xa9: {  	[dreg:$0x3] =	wrdreg s4  }
0xaa: {  	[dreg:$0x4] =	wrdreg $0xC0  }
0xab: {  	_ =	task [dreg:s6], $0x5FFFF  }
0xac: {  	[dreg:$0x1] =	wrdreg $0xFFFFFFFF  }
0xad: {  	[dreg:$0x0] =	wrdreg $0x60  }
0xae: {  	[dreg:$0x2] =	wrdreg s24  }
0xaf: {  	[dreg:$0x3] =	wrdreg $0xC  }
0xb0: {  	_ =	task.clear_ibuf [dreg:s6], $0x4FFFF;
	_ =	strace $0x90000046  }
0xb1: {  	s29 =	simm.s32 $0xC;
	_ =	strace $0x80000048  }
0xb2: {  	_ =	swait.ge [sflag:s29], $0x1  }
0xb3: {  	[sflag:s29] =	ssyncadd.s32 $0xFFFFFFFF  }
0xb4: {  	_ =	strace $0x90000048  }
0xb5: {  	_ =	sfence  }
0xb6: {  	s30 =	sld [smem:$0x0];
	_ =	sdelay $0x2  }
0xb7: {  	s31 =	sshll.u32 s1, $0xD;
	s1 =	sshrl.u32 s1, $0x2  }
0xb8: {  	s3 =	sand.u32 $0x4000, s31;
	s1 =	sadd.s32 s1, s30  }
0xb9: {  	s0 =	sor.u32 s3, s0;
	s1 =	sshll.u32 s1, $0x11  }
0xba: {  	s0 =	sor.u32 s1, s0  }
0xbb: {  	s0 =	sadd.s32 $0x8F2B, s0  }
0xbc: {  	[sflag:s0] =	ssyncadd.remote.s32 $0x1  }
0xbd: {  	_ =	sfence.sel $0xFFFF  }
0xbe: {  	[dreg:$0x0] =	wrdreg $0xFFFFFFFF;
	(pc) =	sbr.abs _section_cstart, $3  }
0xbf: {  	[dreg:$0x1] =	wrdreg $0xFFFFFFFF  }
0xc0: {  	_ =	task.clear_ibuf [dreg:s6], $0x2FFFF;
	_ =	strace $0x9FFFFFFF  }
0xc1: {  	(tm) =	ssettm $0x7FFFFFFF  }
tec
execute0_lowered:
.L_overlay_start_1:
0x0: {  	(tag) =	ssettag $0x1  }
0x1: {  	s7 =	rddreg [dreg:$0x0]  }
0x2: {  	s0 =	rddreg [dreg:$0x1]  }
0x3: {  	s2 =	simm.s32 $0x0;
	s3 =	srdreg.scid;
	s1 =	stileid.u32  }
0x4: {  	s13 =	simm.s32 $0x5;
	s14 =	simm.s32 $0x80;
	s15 =	simm.s32 $0x400  }
0x5: {  	s16 =	simm.s32 $0xC00;
	s17 =	simm.s32 $0x1400;
	s18 =	simm.s32 $0x1C00  }
0x6: {  	s19 =	simm.s32 $0x1;
	s20 =	simm.s32 $0x2;
	s21 =	simm.s32 $0x3  }
0x7: {  	s22 =	simm.s32 $0x4;
	s23 =	simm.s32 $0x0;
	[smem:$0x7FF] =	sst s2  }
0x8: {  	s8 =	sand.u32 $0x1, s3;
	s3 =	sadd.s32 $0x2800, s7;
	s6 =	sshll.u32 s1, $0xB  }
0x9: {  	s4 =	sadd.s32 $0x4A00, s7;
	s5 =	sadd.s32 $0x6C00, s7;
	s11 =	sshll.u32 s1, $0xC  }
0xa: {  	_ =	strace $0x80000047;
	s9 =	sshll.u32 s8, $0xA;
	s10 =	ssub.s32 $0x2, s8  }
0xb: {  	s11 =	sadd.s32 s11, s7;
	s31 =	sshll.u32 s8, $0xB;
	s9 =	sor.u32 s9, s6  }
0xc: {  	s6 =	sadd.s32 $0x8E00, s7;
	s12 =	sshrl.u32 s10, $0x1;
	s9 =	sshrl.u32 s9, $0x3  }
0xd: {  	s10 =	ssub.s32 s10, s12;
	s12 =	sadd.s32 s31, s11;
	s9 =	sadd.s32 s9, s7  }
0xe: {  	s8 =	smax.u32 s10, $0x1;
	s10 =	sadd.s32 $0x2B000, s12;
	s11 =	sadd.s32 $0x1B000, s12  }
0xf: {  	s7 =	sadd.s32 $0x1800, s9;
	s9 =	sadd.s32 $0x3B000, s12;
	s12 =	sadd.s32 $0xB000, s12  }
.LBB2_1:
0x10: {  	[tilespmem:s2], [sflag:$0x5] =	stream.linear.gather [hbm4b:s7+s2], $0x400, $0x38;
	[tilespmem:$0x2400] =	vst v63  }
0x11: {  	_ =	swait.ge [sflag:s13], $0x400  }
0x12: {  	[sflag:s13] =	ssyncset.done $0x0  }
0x13: {  	[sflag:s13] =	ssyncadd.s32 $0xFFFFFC00  }
0x14: {  	[tilespmem:s15], [sflag:$0x1] =	stream.indirect.gather [hbm4b:s3+s14], $0x10, s2, s14, $0xb8;
	[tilespmem:$0x2400] =	vst v63  }
0x15: {  	_ = 	snop  }
0x16: {  	[tilespmem:s16], [sflag:$0x2] =	stream.indirect.gather [hbm4b:s4+s14], $0x10, s2, s14, $0xb8;
	[tilespmem:$0x2400] =	vst v63  }
0x17: {  	_ = 	snop  }
0x18: {  	[tilespmem:s17], [sflag:$0x3] =	stream.indirect.gather [hbm4b:s5+s14], $0x10, s2, s14, $0xb8;
	[tilespmem:$0x2400] =	vst v63  }
0x19: {  	_ = 	snop  }
0x1a: {  	[tilespmem:s18], [sflag:$0x4] =	stream.indirect.gather [hbm4b:s6+s14], $0x10, s2, s14, $0xb8;
	[tilespmem:$0x2400] =	vst v63  }
0x1b: {  	_ =	swait.ge [sflag:s19], $0x800  }
0x1c: {  	[sflag:s19] =	ssyncset.done $0x0  }
0x1d: {  	[sflag:s19] =	ssyncadd.s32 $0xFFFFF800  }
0x1e: {  	_ =	swait.ge [sflag:s20], $0x800  }
0x1f: {  	[sflag:s20] =	ssyncset.done $0x0  }
0x20: {  	[sflag:s20] =	ssyncadd.s32 $0xFFFFF800  }
0x21: {  	_ =	swait.ge [sflag:s21], $0x800  }
0x22: {  	[sflag:s21] =	ssyncset.done $0x0  }
0x23: {  	[sflag:s21] =	ssyncadd.s32 $0xFFFFF800  }
0x24: {  	_ =	swait.ge [sflag:s22], $0x800  }
0x25: {  	[sflag:s22] =	ssyncset.done $0x0  }
0x26: {  	s24 =	sadd.s32 $0x0, s12;
	[sflag:s22] =	ssyncadd.s32 $0xFFFFF800  }
0x27: {  	[hbm4b:s24+s2] =	stream.linear.scatter [tilespmem:s15], [sflag:$0x5], $0x800, $0x38;
	[tilespmem:$0x2400] =	vst v63  }
0x28: {  	_ =	swait.ge [sflag:s13], $0x800  }
0x29: {  	[sflag:s13] =	ssyncset.done $0x0  }
0x2a: {  	s29 =	sadd.s32 $0x0, s11;
	[sflag:s13] =	ssyncadd.s32 $0xFFFFF800  }
0x2b: {  	[hbm4b:s29+s2] =	stream.linear.scatter [tilespmem:s16], [sflag:$0x5], $0x800, $0x38;
	[tilespmem:$0x2400] =	vst v63  }
0x2c: {  	_ =	swait.ge [sflag:s13], $0x800  }
0x2d: {  	[sflag:s13] =	ssyncset.done $0x0  }
0x2e: {  	s30 =	sadd.s32 $0x0, s10;
	[sflag:s13] =	ssyncadd.s32 $0xFFFFF800  }
0x2f: {  	[hbm4b:s30+s2] =	stream.linear.scatter [tilespmem:s17], [sflag:$0x5], $0x800, $0x38;
	[tilespmem:$0x2400] =	vst v63  }
0x30: {  	_ =	swait.ge [sflag:s13], $0x800  }
0x31: {  	[sflag:s13] =	ssyncset.done $0x0  }
0x32: {  	s31 =	sadd.s32 $0x0, s9;
	[sflag:s13] =	ssyncadd.s32 $0xFFFFF800  }
0x33: {  	[hbm4b:s31+s2] =	stream.linear.scatter [tilespmem:s18], [sflag:$0x5], $0x800, $0x38;
	[tilespmem:$0x2400] =	vst v63  }
0x34: {  	_ =	swait.ge [sflag:s13], $0x800  }
0x35: {  	s25 =	simm.s32 $0x0;
	s24 =	simm.s32 $0x100;
	[sflag:s13] =	ssyncset.done $0x0  }
.LBB2_2:
0x36: {  	p0 =	sne.s32 s24, $0x700;
	[sflag:s13] =	ssyncadd.s32 $0xFFFFF800;
	s25 =	sadd.s32 $0x80, s25  }
0x37: {  	[tilespmem:s15], [sflag:$0x1] =	stream.indirect.gather [hbm4b:s3+s14], $0x10, s25, s14, $0xb8;
	[tilespmem:$0x2400] =	vst v63  }
0x38: {  	s26 =	smov.u32 s24;
	s24 =	sadd.s32 $0x100, s24  }
0x39: {  	[tilespmem:s16], [sflag:$0x2] =	stream.indirect.gather [hbm4b:s4+s14], $0x10, s25, s14, $0xb8;
	[tilespmem:$0x2400] =	vst v63  }
0x3a: {  	_ = 	snop  }
0x3b: {  	[tilespmem:s17], [sflag:$0x3] =	stream.indirect.gather [hbm4b:s5+s14], $0x10, s25, s14, $0xb8;
	[tilespmem:$0x2400] =	vst v63  }
0x3c: {  	_ = 	snop  }
0x3d: {  	[tilespmem:s18], [sflag:$0x4] =	stream.indirect.gather [hbm4b:s6+s14], $0x10, s25, s14, $0xb8;
	[tilespmem:$0x2400] =	vst v63  }
0x3e: {  	_ =	swait.ge [sflag:s19], $0x800  }
0x3f: {  	[sflag:s19] =	ssyncset.done $0x0  }
0x40: {  	[sflag:s19] =	ssyncadd.s32 $0xFFFFF800  }
0x41: {  	_ =	swait.ge [sflag:s20], $0x800  }
0x42: {  	[sflag:s20] =	ssyncset.done $0x0  }
0x43: {  	[sflag:s20] =	ssyncadd.s32 $0xFFFFF800  }
0x44: {  	_ =	swait.ge [sflag:s21], $0x800  }
0x45: {  	[sflag:s21] =	ssyncset.done $0x0  }
0x46: {  	[sflag:s21] =	ssyncadd.s32 $0xFFFFF800  }
0x47: {  	_ =	swait.ge [sflag:s22], $0x800  }
0x48: {  	[sflag:s22] =	ssyncset.done $0x0  }
0x49: {  	s28 =	sadd.s32 s26, s12;
	[sflag:s22] =	ssyncadd.s32 $0xFFFFF800  }
0x4a: {  	[hbm4b:s28+s2] =	stream.linear.scatter [tilespmem:s15], [sflag:$0x5], $0x800, $0x38;
	[tilespmem:$0x2400] =	vst v63  }
0x4b: {  	_ =	swait.ge [sflag:s13], $0x800  }
0x4c: {  	[sflag:s13] =	ssyncset.done $0x0  }
0x4d: {  	s28 =	sadd.s32 s26, s11;
	[sflag:s13] =	ssyncadd.s32 $0xFFFFF800  }
0x4e: {  	[hbm4b:s28+s2] =	stream.linear.scatter [tilespmem:s16], [sflag:$0x5], $0x800, $0x38;
	[tilespmem:$0x2400] =	vst v63  }
0x4f: {  	_ =	swait.ge [sflag:s13], $0x800  }
0x50: {  	[sflag:s13] =	ssyncset.done $0x0  }
0x51: {  	s28 =	sadd.s32 s26, s10;
	[sflag:s13] =	ssyncadd.s32 $0xFFFFF800  }
0x52: {  	[hbm4b:s28+s2] =	stream.linear.scatter [tilespmem:s17], [sflag:$0x5], $0x800, $0x38;
	[tilespmem:$0x2400] =	vst v63  }
0x53: {  	_ =	swait.ge [sflag:s13], $0x800  }
.Ltmp0:
0x54: {  	[sflag:s13] =	ssyncset.done $0x0;
	(pc) =	sbr.rel @p0 .LBB2_2-.Ltmp0, $4  }
0x55: {  	s26 =	sadd.s32 s26, s9;
	[sflag:s13] =	ssyncadd.s32 $0xFFFFF800  }
0x56: {  	[hbm4b:s26+s2] =	stream.linear.scatter [tilespmem:s18], [sflag:$0x5], $0x800, $0x38;
	[tilespmem:$0x2400] =	vst v63  }
0x57: {  	_ =	swait.ge [sflag:s13], $0x800  }
0x58: {  	[sflag:s13] =	ssyncset.done $0x0  }
0x59: {  	s23 =	sadd.s32 $0x1, s23  }
0x5a: {  	p0 =	sne.s32 s23, s8  }
.Ltmp1:
0x5b: {  	_ = 	snop;
	(pc) =	sbr.rel @p0 .LBB2_1-.Ltmp1, $2  }
0x5c: {  	_ =	sdelay $0x2  }
0x5d: {  	[sflag:s13] =	ssyncadd.s32 $0xFFFFF800  }
0x5e: {  	_ =	sfence.sel $0x180000  }
0x5f: {  	[bflag:$0x0] =	sbarrier.arrive $0xFFFF  }
0x60: {  	p0 =	sne.s32 s1, $0x0;
	_ =	strace $0x90000047  }
0x61: {  	s0 =	sadd.s32 @!p0 $0x100000, s0;
	[bflag:$0x2] =	sbarrier.arrive $0xFFFF  }
0x62: {  	[sflag:s0] =	ssyncadd.tile.s32 @!p0 $0x1;
	_ =	shalt  }
.Lfunc_end2:
_tile_overlayer_lowered:
.L_overlay_start_2:
0x63: {  	(tag) =	ssettag $0x2  }
0x64: {  	s0 =	rddreg [dreg:$0x0];
	s2 =	stileid.u32  }
0x65: {  	s1 =	rddreg [dreg:$0x1];
	p0 =	sne.s32 s2, $0x0  }
0x66: {  	s3 =	rddreg [dreg:$0x2];
	[bflag:$0x3] =	sbarrier.arrive $0xFFFF;
	s2 =	simm.s32 @!p0 $0x1C05  }
0x67: {  	[timem:s3], [sflag:s2] =	dma.local @!p0 [hbm:s0], s1  }
0x68: {  	s0 =	simm.s32 @!p0 $0x5  }
0x69: {  	_ =	swait.ge @!p0 [sflag:s0], s1  }
0x6a: {  	s1 =	ssub.s32 @!p0 $0x0, s1;
	[sflag:s0] =	ssyncset.done @!p0 $0x0  }
0x6b: {  	[sflag:s0] =	ssyncadd.s32 @!p0 s1  }
0x6c: {  	[bflag:$0x3] =	sbarrier.arrive $0xFFFF  }
0x6d: {  	_ =	shalt  }

</sc_bundles>
